<compile_context>
chip_gen: v7x
topology: tpu7x:2x2x1
jax: 0.10.2.dev20260603
libtpu: 0.0.44.dev20260713+nightly
codegen_flags: <defaults>
</compile_context>

<pallas_src>
import jax
import jax.numpy as jnp
from jax import lax
from jax.experimental import pallas as pl
from jax.experimental.pallas import tpu as pltpu
from jax.experimental.pallas import tpu_sc as plsc

_ALPHA = 0.0001
_MARGIN = 100.0
_K = 3
_L = 16
_B = 8
_T = 2048
_F = 2048
_NCHUNK = _T // _L
_NROW = 2 * _B

def _ln(x):
    bits = plsc.bitcast(x, jnp.int32)
    e = ((bits >> 23) - 127).astype(jnp.float32)
    m = plsc.bitcast((bits & 0x007FFFFF) | 0x3F800000, jnp.float32)
    t = (m - 1.0) / (m + 1.0)
    t2 = t * t
    p = 2.0 + t2 * (0.6666666 + t2 * (0.4 + t2 * (0.28571429 + t2 * 0.22222222)))
    ln = e * 0.69314718 + t * p
    return jnp.where(x < 1e-37, -1e4, ln)


def _sqrt(x):
    bits = plsc.bitcast(x, jnp.int32)
    y = plsc.bitcast(0x5F3759DF - (bits >> 1), jnp.float32)
    for _ in range(3):
        y = y * (1.5 - 0.5 * x * y * y)
    return x * y


def _sc_body(fmagn_a, fmagn_n, sls_a, sls_n, tab_a, tab_n, ld_hbm,
             out_hbm, stage_hbm,
             fm_v, sl_v, rows_v, res_v, tmp_v, tmp2_v, ld_v, cmb_v,
             sem, sem2):
    w = lax.axis_index("s")
    core = lax.axis_index("c")
    lanes = lax.iota(jnp.int32, _L)

    @pl.when(core == 0)
    def _core0():
        _row_work(fmagn_a, fmagn_n, sls_a, sls_n, tab_a, tab_n,
                  stage_hbm, fm_v, sl_v, rows_v, res_v, sem, sem2, w, lanes)
        plsc.subcore_barrier()

        @pl.when(w == 0)
        def _final():
            _combine(ld_hbm, out_hbm, stage_hbm, res_v, tmp_v, tmp2_v, ld_v,
                     cmb_v, lanes)



def _row_work(fmagn_a, fmagn_n, sls_a, sls_n, tab_a, tab_n,
              stage_hbm, fm_v, sl_v, rows_v, res_v, sem, sem2, w, lanes):
    @pl.when(w < _B)
    def _():
        pltpu.async_copy(fmagn_a.at[w], fm_v, sem)
        pltpu.async_copy(sls_a.at[w], sl_v, sem2)

    @pl.when(w >= _B)
    def _():
        pltpu.async_copy(fmagn_n.at[w - _B], fm_v, sem)
        pltpu.async_copy(sls_n.at[w - _B], sl_v, sem2)

    pltpu.make_async_copy(fmagn_a.at[0], fm_v, sem).wait()

    neg_inf = jnp.full((_L,), -jnp.inf, jnp.float32)
    zero_i = jnp.zeros((_L,), jnp.int32)

    def insert(stack, v, ix):
        t1, i1, t2, i2, t3, i3 = stack
        c1 = v > t1
        nt1 = jnp.where(c1, v, t1)
        ni1 = jnp.where(c1, ix, i1)
        dv = jnp.where(c1, t1, v)
        di = jnp.where(c1, i1, ix)
        c2 = dv > t2
        nt2 = jnp.where(c2, dv, t2)
        ni2 = jnp.where(c2, di, i2)
        dv2 = jnp.where(c2, t2, dv)
        di2 = jnp.where(c2, i2, di)
        c3 = dv2 > t3
        nt3 = jnp.where(c3, dv2, t3)
        ni3 = jnp.where(c3, di2, i3)
        return (nt1, ni1, nt2, ni2, nt3, ni3)

    def insert_lex(stack, v, ix):
        t1, i1, t2, i2, t3, i3 = stack
        c1 = (v > t1) | ((v == t1) & (ix < i1))
        nt1 = jnp.where(c1, v, t1)
        ni1 = jnp.where(c1, ix, i1)
        dv = jnp.where(c1, t1, v)
        di = jnp.where(c1, i1, ix)
        c2 = (dv > t2) | ((dv == t2) & (di < i2))
        nt2 = jnp.where(c2, dv, t2)
        ni2 = jnp.where(c2, di, i2)
        dv2 = jnp.where(c2, t2, dv)
        di2 = jnp.where(c2, i2, di)
        c3 = (dv2 > t3) | ((dv2 == t3) & (di2 < i3))
        nt3 = jnp.where(c3, dv2, t3)
        ni3 = jnp.where(c3, di2, i3)
        return (nt1, ni1, nt2, ni2, nt3, ni3)

    empty = (neg_inf, zero_i, neg_inf, zero_i, neg_inf, zero_i)

    def topk_step(j, carry):
        sa = carry[:6]
        sb = carry[6:]
        va = fm_v[pl.ds((2 * j) * _L, _L)]
        vb = fm_v[pl.ds((2 * j + 1) * _L, _L)]
        ixa = lanes + (2 * j) * _L
        ixb = lanes + (2 * j + 1) * _L
        return insert(sa, va, ixa) + insert(sb, vb, ixb)

    st = lax.fori_loop(0, _NCHUNK // 2, topk_step, empty + empty)
    t1, i1, t2, i2, t3, i3 = st[:6]
    sb = st[6:]
    for lvl in range(3):
        t1, i1, t2, i2, t3, i3 = insert_lex(
            (t1, i1, t2, i2, t3, i3), sb[2 * lvl], sb[2 * lvl + 1])

    sel = []
    for _r in range(_K):
        m = jnp.max(t1)
        s = jnp.min(jnp.where(t1 == m, i1, _T))
        rm = i1 == s
        t1 = jnp.where(rm, t2, t1)
        i1 = jnp.where(rm, i2, i1)
        t2 = jnp.where(rm, t3, t2)
        i2 = jnp.where(rm, i3, i2)
        t3 = jnp.where(rm, neg_inf, t3)
        sel.append(s)

    selv = jnp.where(lanes == 1, sel[1],
                     jnp.where(lanes == 2, sel[2], sel[0]))
    pltpu.make_async_copy(sls_a.at[0], sl_v, sem2).wait()
    g = plsc.load_gather(sl_v, [selv])
    vls = jnp.sum(jnp.where(lanes < _K, g, 0.0)) * (1.0 / _K)

    b = jnp.where(w < _B, w, w - _B)
    row_iv = b * _T + selv

    @pl.when(w < _B)
    def _():
        pltpu.async_copy(tab_a.at[row_iv], rows_v, sem).wait()

    @pl.when(w >= _B)
    def _():
        pltpu.async_copy(tab_n.at[row_iv], rows_v, sem).wait()

    def ssq_step(c, accs):
        acc0, acc1 = accs
        d0 = pl.ds((2 * c) * _L, _L)
        d1 = pl.ds((2 * c + 1) * _L, _L)
        a0 = (rows_v[0, d0] + rows_v[1, d0] + rows_v[2, d0]) * (1.0 / 3.0)
        a1 = (rows_v[0, d1] + rows_v[1, d1] + rows_v[2, d1]) * (1.0 / 3.0)
        return (acc0 + a0 * a0, acc1 + a1 * a1)

    z = jnp.zeros((_L,), jnp.float32)
    acc0, acc1 = lax.fori_loop(0, _F // (2 * _L), ssq_step, (z, z))
    ssq = jnp.sum(acc0 + acc1)

    res_v[...] = jnp.where(lanes == 0, ssq, jnp.where(lanes == 1, vls, 0.0))
    pltpu.sync_copy(res_v, stage_hbm.at[w])


def _combine(ld_hbm, out_hbm, stage_hbm, res_v, tmp_v, tmp2_v, ld_v,
             cmb_v, lanes):
    pltpu.sync_copy(stage_hbm, cmb_v)
    pltpu.sync_copy(ld_hbm, ld_v)
    zeros = jnp.zeros((_L,), jnp.int32)
    ssqv = plsc.load_gather(cmb_v, [lanes, zeros])
    vlsv = plsc.load_gather(cmb_v, [lanes, zeros + 1])

    sq = _sqrt(ssqv)
    tmp_v[...] = sq
    tmp2_v[...] = vlsv
    rot = (lanes + _B) & (_L - 1)
    sq_shift = plsc.load_gather(tmp_v, [rot])
    vc = plsc.load_gather(tmp2_v, [rot])

    la = jnp.abs(_MARGIN - sq)
    terms = (la + sq_shift) * (la + sq_shift)
    loss_rtfm = jnp.sum(jnp.where(lanes < _B, terms, 0.0)) * (1.0 / _B)

    ld = ld_v[...]
    ln_p = jnp.maximum(_ln(vc), -100.0)
    ln_1mp = jnp.maximum(_ln(1.0 - vc), -100.0)
    bce = -(ld * ln_p + (1.0 - ld) * ln_1mp)
    loss_vls = jnp.sum(bce) * (1.0 / _NROW)

    res_v[...] = jnp.where(lanes == 0, _ALPHA * loss_rtfm,
                           jnp.where(lanes == 1, loss_vls, 0.0))
    pltpu.sync_copy(res_v, out_hbm)


_sc_call = pl.kernel(
    _sc_body,
    out_type=[jax.ShapeDtypeStruct((_L,), jnp.float32),
              jax.ShapeDtypeStruct((_NROW, _L), jnp.float32)],
    mesh=plsc.VectorSubcoreMesh(core_axis_name="c", subcore_axis_name="s"),
    scratch_types=[
        pltpu.VMEM((_T,), jnp.float32),
        pltpu.VMEM((_T,), jnp.float32),
        pltpu.VMEM((_L, _F), jnp.float32),
        pltpu.VMEM((_L,), jnp.float32),
        pltpu.VMEM((_L,), jnp.float32),
        pltpu.VMEM((_L,), jnp.float32),
        pltpu.VMEM((_L,), jnp.float32),
        pltpu.VMEM((_NROW, _L), jnp.float32),
        pltpu.SemaphoreType.DMA,
        pltpu.SemaphoreType.DMA,
    ],
    compiler_params=pltpu.CompilerParams(needs_layout_passes=False),
)


def kernel(abnr_fmagn, norm_fmagn, abnr_feats, norm_feats, abnr_sls, norm_sls, ldata):
    tab_a = abnr_feats.reshape(_B * _T, _F)
    tab_n = norm_feats.reshape(_B * _T, _F)
    out, _stage = _sc_call(abnr_fmagn, norm_fmagn, abnr_sls, norm_sls,
                           tab_a, tab_n, ldata)
    return (out[0], out[1])

# --- scband reference (transcript-rebuilt; emitter-appended) ---
"""Pipeline reference for scband-rtfm-89730456748399 (READ-ONLY COPY).

The authoritative reference and input builder live on the scoring server;
editing this copy changes nothing except your own understanding.
"""

import jax, jax.numpy as jnp
import numpy as np

ALPHA = 0.0001
MARGIN = 100.0
K = 3


def setup_inputs(seed: int = 0) -> dict:
    key = jax.random.key(seed)
    ks = jax.random.split(key, 7)
    nc, b, t, f = 1, 8, 2048, 2048
    return {
        'abnr_fmagn': jax.random.normal(ks[0], (b, t), dtype=jnp.float32),
        'norm_fmagn': jax.random.normal(ks[1], (b, t), dtype=jnp.float32),
        'abnr_feats': jax.random.normal(ks[2], (nc, b, t, f), dtype=jnp.float32),
        'norm_feats': jax.random.normal(ks[3], (nc, b, t, f), dtype=jnp.float32),
        'abnr_sls': jax.random.uniform(ks[4], (b, t), dtype=jnp.float32),
        'norm_sls': jax.random.uniform(ks[5], (b, t), dtype=jnp.float32),
        'ldata': jax.random.uniform(ks[6], (2 * b,), dtype=jnp.float32),
    }


def _gather_feats(feat_magn, feats, k):
    nc, b, t, f = feats.shape
    # eval-mode Dropout(0.7) applied to ones -> identity mask
    feat_magn_drop = feat_magn * jnp.ones_like(feat_magn)
    _, idx = jax.lax.top_k(feat_magn_drop, k)  # [b, k], largest, sorted (matches torch.topk)
    feats_sel = None
    for i in range(nc):
        feat = feats[i]  # [b, t, f]
        # torch.gather(feat, 1, idx expanded to [b, k, t]) -> out[i,j,l] = feat[i, idx[i,j], l], l < t
        g = jnp.take_along_axis(feat, idx[:, :, None], axis=1)[:, :, :t]  # [b, k, t]
        feats_sel = jnp.concatenate((g, g), axis=0)  # [2b, k, t]
    return feats_sel, idx


def reference(abnr_fmagn, norm_fmagn, abnr_feats, norm_feats, abnr_sls, norm_sls, ldata):
    feat_sel_abn, idx_abn = _gather_feats(abnr_fmagn, abnr_feats, K)
    afeat = feat_sel_abn.mean(axis=1)  # [2b, t]
    l2norm_abn = jnp.sqrt(jnp.sum(afeat * afeat, axis=1))
    loss_abn = jnp.abs(MARGIN - l2norm_abn)

    feat_sel_norm, idx_norm = _gather_feats(norm_fmagn, norm_feats, K)
    nfeat = jnp.mean(feat_sel_norm, axis=1)
    loss_norm = jnp.sqrt(jnp.sum(nfeat * nfeat, axis=1))

    loss_rtfm = jnp.mean((loss_abn + loss_norm) ** 2)

    sls_sel_abn = jnp.take_along_axis(abnr_sls, idx_abn, axis=1)  # [b, k]
    vls_abn = jnp.mean(sls_sel_abn, axis=1)
    sls_sel_norm = jnp.take_along_axis(norm_sls, idx_norm, axis=1)
    vls_norm = jnp.mean(sls_sel_norm, axis=1)
    vls = jnp.concatenate((vls_norm, vls_abn))  # [2b]

    # BCELoss with torch-style log clamping at -100
    ln_p = jnp.maximum(jnp.log(vls), -100.0)
    ln_1mp = jnp.maximum(jnp.log(1.0 - vls), -100.0)
    loss_vls = jnp.mean(-(ldata * ln_p + (1.0 - ldata) * ln_1mp))

    return (ALPHA * loss_rtfm, loss_vls)

if __name__ == "__main__":
    import jax
    _d = setup_inputs()
    print(jax.jit(kernel)(*tuple(_d.values())))

</pallas_src>

<mosaic_0001>
#map = affine_map<(d0, d1) -> (0, 0)>
#map1 = affine_map<(d0, d1) -> (0)>
module attributes {stable_mosaic.version = 14 : i64} {
  func.func @_sc_body(%arg0: i32, %arg1: i32, %arg2: memref<8x2048xf32, #tpu.memory_space<hbm>>, %arg3: memref<8x2048xf32, #tpu.memory_space<hbm>>, %arg4: memref<8x2048xf32, #tpu.memory_space<hbm>>, %arg5: memref<8x2048xf32, #tpu.memory_space<hbm>>, %arg6: memref<16384x2048xf32, #tpu.memory_space<hbm>>, %arg7: memref<16384x2048xf32, #tpu.memory_space<hbm>>, %arg8: memref<16xf32, #tpu.memory_space<hbm>>, %arg9: memref<16xf32, #tpu.memory_space<hbm>>, %arg10: memref<16x16xf32, #tpu.memory_space<hbm>>, %arg11: memref<2048xf32, #tpu.memory_space<vmem>>, %arg12: memref<2048xf32, #tpu.memory_space<vmem>>, %arg13: memref<16x2048xf32, #tpu.memory_space<vmem>>, %arg14: memref<16xf32, #tpu.memory_space<vmem>>, %arg15: memref<16xf32, #tpu.memory_space<vmem>>, %arg16: memref<16xf32, #tpu.memory_space<vmem>>, %arg17: memref<16xf32, #tpu.memory_space<vmem>>, %arg18: memref<16x16xf32, #tpu.memory_space<vmem>>, %arg19: memref<!tpu.dma_semaphore, #tpu.memory_space<semaphore_mem>>, %arg20: memref<!tpu.dma_semaphore, #tpu.memory_space<semaphore_mem>>) attributes {dimension_semantics = [#tpu.dimension_semantics<core_parallel>, #tpu.dimension_semantics<subcore_parallel>], iteration_bounds = array<i64: 2, 16>, scalar_prefetch = 0 : i64, scratch_operands = 10 : i64, tpu.core_type = #tpu.core_type<sc_vector_subcore>, window_params = [{transform_indices = #map}, {transform_indices = #map}, {transform_indices = #map}, {transform_indices = #map}, {transform_indices = #map}, {transform_indices = #map}, {transform_indices = #map1}, {transform_indices = #map1}, {transform_indices = #map}]} {
    %iota3A = tpu.iota {dimensions = array<i32: 0>} : vector<16xi32>
    %eq3A = arith.constant 0 : i32
    %eq3A_0 = arith.cmpi eq, %arg0, %eq3A : i32
    %convert_element_type3A = arith.extui %eq3A_0 : i1 to i32
    %cond3A = arith.constant 0 : i32
    %cond3A_1 = arith.cmpi ne, %convert_element_type3A, %cond3A : i32
    scf.if %cond3A_1 {
      %lt3A = arith.constant 8 : i32
      %lt3A_2 = arith.cmpi slt, %arg1, %lt3A : i32
      %convert_element_type3A_3 = arith.extui %lt3A_2 : i1 to i32
      %cond3A_4 = arith.constant 0 : i32
      %cond3A_5 = arith.cmpi ne, %convert_element_type3A_3, %cond3A_4 : i32
      scf.if %cond3A_5 {
        %dma_start3A = arith.constant 0 : i32
        %dma_start3A_240 = tpu.memref_slice %arg2[%arg1, %dma_start3A] : memref<8x2048xf32, #tpu.memory_space<hbm>> -> memref<1x2048xf32, #tpu.memory_space<hbm>>
        %dma_start3A_241 = tpu.memref_squeeze %dma_start3A_240 : memref<1x2048xf32, #tpu.memory_space<hbm>> -> memref<2048xf32, #tpu.memory_space<hbm>>
        %dma_start3A_242 = arith.constant 0 : i32
        %dma_start3A_243 = tpu.memref_slice %arg2[%arg1, %dma_start3A_242] : memref<8x2048xf32, #tpu.memory_space<hbm>> -> memref<1x2048xf32, #tpu.memory_space<hbm>>
        %dma_start3A_244 = tpu.memref_squeeze %dma_start3A_243 : memref<1x2048xf32, #tpu.memory_space<hbm>> -> memref<2048xf32, #tpu.memory_space<hbm>>
        tpu.enqueue_dma source(%dma_start3A_244 : memref<2048xf32, #tpu.memory_space<hbm>>) target(%arg11 : memref<2048xf32, #tpu.memory_space<vmem>>) target_semaphore(%arg19 : memref<!tpu.dma_semaphore, #tpu.memory_space<semaphore_mem>>)
        %dma_start3A_245 = arith.constant 0 : i32
        %dma_start3A_246 = tpu.memref_slice %arg4[%arg1, %dma_start3A_245] : memref<8x2048xf32, #tpu.memory_space<hbm>> -> memref<1x2048xf32, #tpu.memory_space<hbm>>
        %dma_start3A_247 = tpu.memref_squeeze %dma_start3A_246 : memref<1x2048xf32, #tpu.memory_space<hbm>> -> memref<2048xf32, #tpu.memory_space<hbm>>
        %dma_start3A_248 = arith.constant 0 : i32
        %dma_start3A_249 = tpu.memref_slice %arg4[%arg1, %dma_start3A_248] : memref<8x2048xf32, #tpu.memory_space<hbm>> -> memref<1x2048xf32, #tpu.memory_space<hbm>>
        %dma_start3A_250 = tpu.memref_squeeze %dma_start3A_249 : memref<1x2048xf32, #tpu.memory_space<hbm>> -> memref<2048xf32, #tpu.memory_space<hbm>>
        tpu.enqueue_dma source(%dma_start3A_250 : memref<2048xf32, #tpu.memory_space<hbm>>) target(%arg12 : memref<2048xf32, #tpu.memory_space<vmem>>) target_semaphore(%arg20 : memref<!tpu.dma_semaphore, #tpu.memory_space<semaphore_mem>>)
      } else {
      }
      %ge3A = arith.constant 8 : i32
      %ge3A_6 = arith.cmpi sge, %arg1, %ge3A : i32
      %convert_element_type3A_7 = arith.extui %ge3A_6 : i1 to i32
      %cond3A_8 = arith.constant 0 : i32
      %cond3A_9 = arith.cmpi ne, %convert_element_type3A_7, %cond3A_8 : i32
      scf.if %cond3A_9 {
        %sub3A_240 = arith.constant 8 : i32
        %sub3A_241 = arith.subi %arg1, %sub3A_240 : i32
        %dma_start3A = arith.constant 0 : i32
        %dma_start3A_242 = tpu.memref_slice %arg3[%sub3A_241, %dma_start3A] : memref<8x2048xf32, #tpu.memory_space<hbm>> -> memref<1x2048xf32, #tpu.memory_space<hbm>>
        %dma_start3A_243 = tpu.memref_squeeze %dma_start3A_242 : memref<1x2048xf32, #tpu.memory_space<hbm>> -> memref<2048xf32, #tpu.memory_space<hbm>>
        %dma_start3A_244 = arith.constant 0 : i32
        %dma_start3A_245 = tpu.memref_slice %arg3[%sub3A_241, %dma_start3A_244] : memref<8x2048xf32, #tpu.memory_space<hbm>> -> memref<1x2048xf32, #tpu.memory_space<hbm>>
        %dma_start3A_246 = tpu.memref_squeeze %dma_start3A_245 : memref<1x2048xf32, #tpu.memory_space<hbm>> -> memref<2048xf32, #tpu.memory_space<hbm>>
        tpu.enqueue_dma source(%dma_start3A_246 : memref<2048xf32, #tpu.memory_space<hbm>>) target(%arg11 : memref<2048xf32, #tpu.memory_space<vmem>>) target_semaphore(%arg19 : memref<!tpu.dma_semaphore, #tpu.memory_space<semaphore_mem>>)
        %sub3A_247 = arith.constant 8 : i32
        %sub3A_248 = arith.subi %arg1, %sub3A_247 : i32
        %dma_start3A_249 = arith.constant 0 : i32
        %dma_start3A_250 = tpu.memref_slice %arg5[%sub3A_248, %dma_start3A_249] : memref<8x2048xf32, #tpu.memory_space<hbm>> -> memref<1x2048xf32, #tpu.memory_space<hbm>>
        %dma_start3A_251 = tpu.memref_squeeze %dma_start3A_250 : memref<1x2048xf32, #tpu.memory_space<hbm>> -> memref<2048xf32, #tpu.memory_space<hbm>>
        %dma_start3A_252 = arith.constant 0 : i32
        %dma_start3A_253 = tpu.memref_slice %arg5[%sub3A_248, %dma_start3A_252] : memref<8x2048xf32, #tpu.memory_space<hbm>> -> memref<1x2048xf32, #tpu.memory_space<hbm>>
        %dma_start3A_254 = tpu.memref_squeeze %dma_start3A_253 : memref<1x2048xf32, #tpu.memory_space<hbm>> -> memref<2048xf32, #tpu.memory_space<hbm>>
        tpu.enqueue_dma source(%dma_start3A_254 : memref<2048xf32, #tpu.memory_space<hbm>>) target(%arg12 : memref<2048xf32, #tpu.memory_space<vmem>>) target_semaphore(%arg20 : memref<!tpu.dma_semaphore, #tpu.memory_space<semaphore_mem>>)
      } else {
      }
      %dma_wait3A = arith.constant 0 : i32
      %dma_wait3A_10 = arith.constant 0 : i32
      %dma_wait3A_11 = tpu.memref_slice %arg2[%dma_wait3A, %dma_wait3A_10] : memref<8x2048xf32, #tpu.memory_space<hbm>> -> memref<1x2048xf32, #tpu.memory_space<hbm>>
      %dma_wait3A_12 = tpu.memref_squeeze %dma_wait3A_11 : memref<1x2048xf32, #tpu.memory_space<hbm>> -> memref<2048xf32, #tpu.memory_space<hbm>>
      %dma_wait3A_13 = arith.constant 0 : i32
      %dma_wait3A_14 = tpu.memref_slice %arg2[%dma_wait3A, %dma_wait3A_13] : memref<8x2048xf32, #tpu.memory_space<hbm>> -> memref<1x2048xf32, #tpu.memory_space<hbm>>
      %dma_wait3A_15 = tpu.memref_squeeze %dma_wait3A_14 : memref<1x2048xf32, #tpu.memory_space<hbm>> -> memref<2048xf32, #tpu.memory_space<hbm>>
      tpu.wait_dma2 semaphore(%arg19 : memref<!tpu.dma_semaphore, #tpu.memory_space<semaphore_mem>>) src(%dma_wait3A_15 : memref<2048xf32, #tpu.memory_space<hbm>>) dst(%arg11 : memref<2048xf32, #tpu.memory_space<vmem>>)
      %broadcast_in_dim3A = arith.constant 0xFF800000 : f32
      %broadcast_in_dim3A_16 = vector.broadcast %broadcast_in_dim3A : f32 to vector<16xf32>
      %broadcast_in_dim3A_17 = arith.constant 0 : i32
      %broadcast_in_dim3A_18 = vector.broadcast %broadcast_in_dim3A_17 : i32 to vector<16xi32>
      %scan3A = arith.constant 0 : i32
      %scan3A_19 = arith.constant 64 : i32
      %scan3A_20 = arith.addi %scan3A, %scan3A_19 : i32
      %scan3A_21 = arith.constant 1 : i32
      %scan3A_22:12 = scf.for %scan3A_240 = %scan3A to %scan3A_20 step %scan3A_21 iter_args(%scan3A_241 = %broadcast_in_dim3A_16, %scan3A_242 = %broadcast_in_dim3A_18, %scan3A_243 = %broadcast_in_dim3A_16, %scan3A_244 = %broadcast_in_dim3A_18, %scan3A_245 = %broadcast_in_dim3A_16, %scan3A_246 = %broadcast_in_dim3A_18, %scan3A_247 = %broadcast_in_dim3A_16, %scan3A_248 = %broadcast_in_dim3A_18, %scan3A_249 = %broadcast_in_dim3A_16, %scan3A_250 = %broadcast_in_dim3A_18, %scan3A_251 = %broadcast_in_dim3A_16, %scan3A_252 = %broadcast_in_dim3A_18) -> (vector<16xf32>, vector<16xi32>, vector<16xf32>, vector<16xi32>, vector<16xf32>, vector<16xi32>, vector<16xf32>, vector<16xi32>, vector<16xf32>, vector<16xi32>, vector<16xf32>, vector<16xi32>)  : i32 {
        %mul3A_253 = arith.constant 2 : i32
        %mul3A_254 = arith.muli %mul3A_253, %scan3A_240 : i32
        %mul3A_255 = arith.constant 16 : i32
        %mul3A_256 = arith.muli %mul3A_254, %mul3A_255 : i32
        %get3A = arith.index_cast %mul3A_256 : i32 to index
        %get3A_257 = tpu.vector_load %arg11[%get3A] {strides = array<i32>} : memref<2048xf32, #tpu.memory_space<vmem>>, vector<16xf32>,
        %mul3A_258 = arith.constant 2 : i32
        %mul3A_259 = arith.muli %mul3A_258, %scan3A_240 : i32
        %add3A_260 = arith.constant 1 : i32
        %add3A_261 = arith.addi %mul3A_259, %add3A_260 : i32
        %mul3A_262 = arith.constant 16 : i32
        %mul3A_263 = arith.muli %add3A_261, %mul3A_262 : i32
        %get3A_264 = arith.index_cast %mul3A_263 : i32 to index
        %get3A_265 = tpu.vector_load %arg11[%get3A_264] {strides = array<i32>} : memref<2048xf32, #tpu.memory_space<vmem>>, vector<16xf32>,
        %mul3A_266 = arith.constant 2 : i32
        %mul3A_267 = arith.muli %mul3A_266, %scan3A_240 : i32
        %mul3A_268 = arith.constant 16 : i32
        %mul3A_269 = arith.muli %mul3A_267, %mul3A_268 : i32
        %add3A_270 = vector.broadcast %mul3A_269 : i32 to vector<16xi32>
        %add3A_271 = arith.addi %iota3A, %add3A_270 : vector<16xi32>
        %mul3A_272 = arith.constant 2 : i32
        %mul3A_273 = arith.muli %mul3A_272, %scan3A_240 : i32
        %add3A_274 = arith.constant 1 : i32
        %add3A_275 = arith.addi %mul3A_273, %add3A_274 : i32
        %mul3A_276 = arith.constant 16 : i32
        %mul3A_277 = arith.muli %add3A_275, %mul3A_276 : i32
        %add3A_278 = vector.broadcast %mul3A_277 : i32 to vector<16xi32>
        %add3A_279 = arith.addi %iota3A, %add3A_278 : vector<16xi32>
        %gt3A_280 = arith.cmpf ogt, %get3A_257, %scan3A_241 : vector<16xf32>
        %select_n3A_281 = arith.select %gt3A_280, %get3A_257, %scan3A_241 : vector<16xi1>, vector<16xf32>
        %select_n3A_282 = arith.select %gt3A_280, %add3A_271, %scan3A_242 : vector<16xi1>, vector<16xi32>
        %select_n3A_283 = arith.select %gt3A_280, %scan3A_241, %get3A_257 : vector<16xi1>, vector<16xf32>
        %select_n3A_284 = arith.select %gt3A_280, %scan3A_242, %add3A_271 : vector<16xi1>, vector<16xi32>
        %gt3A_285 = arith.cmpf ogt, %select_n3A_283, %scan3A_243 : vector<16xf32>
        %select_n3A_286 = arith.select %gt3A_285, %select_n3A_283, %scan3A_243 : vector<16xi1>, vector<16xf32>
        %select_n3A_287 = arith.select %gt3A_285, %select_n3A_284, %scan3A_244 : vector<16xi1>, vector<16xi32>
        %select_n3A_288 = arith.select %gt3A_285, %scan3A_243, %select_n3A_283 : vector<16xi1>, vector<16xf32>
        %select_n3A_289 = arith.select %gt3A_285, %scan3A_244, %select_n3A_284 : vector<16xi1>, vector<16xi32>
        %gt3A_290 = arith.cmpf ogt, %select_n3A_288, %scan3A_245 : vector<16xf32>
        %select_n3A_291 = arith.select %gt3A_290, %select_n3A_288, %scan3A_245 : vector<16xi1>, vector<16xf32>
        %select_n3A_292 = arith.select %gt3A_290, %select_n3A_289, %scan3A_246 : vector<16xi1>, vector<16xi32>
        %gt3A_293 = arith.cmpf ogt, %get3A_265, %scan3A_247 : vector<16xf32>
        %select_n3A_294 = arith.select %gt3A_293, %get3A_265, %scan3A_247 : vector<16xi1>, vector<16xf32>
        %select_n3A_295 = arith.select %gt3A_293, %add3A_279, %scan3A_248 : vector<16xi1>, vector<16xi32>
        %select_n3A_296 = arith.select %gt3A_293, %scan3A_247, %get3A_265 : vector<16xi1>, vector<16xf32>
        %select_n3A_297 = arith.select %gt3A_293, %scan3A_248, %add3A_279 : vector<16xi1>, vector<16xi32>
        %gt3A_298 = arith.cmpf ogt, %select_n3A_296, %scan3A_249 : vector<16xf32>
        %select_n3A_299 = arith.select %gt3A_298, %select_n3A_296, %scan3A_249 : vector<16xi1>, vector<16xf32>
        %select_n3A_300 = arith.select %gt3A_298, %select_n3A_297, %scan3A_250 : vector<16xi1>, vector<16xi32>
        %select_n3A_301 = arith.select %gt3A_298, %scan3A_249, %select_n3A_296 : vector<16xi1>, vector<16xf32>
        %select_n3A_302 = arith.select %gt3A_298, %scan3A_250, %select_n3A_297 : vector<16xi1>, vector<16xi32>
        %gt3A_303 = arith.cmpf ogt, %select_n3A_301, %scan3A_251 : vector<16xf32>
        %select_n3A_304 = arith.select %gt3A_303, %select_n3A_301, %scan3A_251 : vector<16xi1>, vector<16xf32>
        %select_n3A_305 = arith.select %gt3A_303, %select_n3A_302, %scan3A_252 : vector<16xi1>, vector<16xi32>
        scf.yield %select_n3A_281, %select_n3A_282, %select_n3A_286, %select_n3A_287, %select_n3A_291, %select_n3A_292, %select_n3A_294, %select_n3A_295, %select_n3A_299, %select_n3A_300, %select_n3A_304, %select_n3A_305 : vector<16xf32>, vector<16xi32>, vector<16xf32>, vector<16xi32>, vector<16xf32>, vector<16xi32>, vector<16xf32>, vector<16xi32>, vector<16xf32>, vector<16xi32>, vector<16xf32>, vector<16xi32>
      }
      %scan3A_23 = arith.constant 64 : i32
      %gt3A = arith.cmpf ogt, %scan3A_22#6, %scan3A_22#0 : vector<16xf32>
      %eq3A_24 = arith.cmpf oeq, %scan3A_22#6, %scan3A_22#0 : vector<16xf32>
      %lt3A_25 = arith.cmpi slt, %scan3A_22#7, %scan3A_22#1 : vector<16xi32>
      %and3A = arith.andi %eq3A_24, %lt3A_25 : vector<16xi1>
      %or3A = arith.ori %gt3A, %and3A : vector<16xi1>
      %select_n3A = arith.select %or3A, %scan3A_22#6, %scan3A_22#0 : vector<16xi1>, vector<16xf32>
      %select_n3A_26 = arith.select %or3A, %scan3A_22#7, %scan3A_22#1 : vector<16xi1>, vector<16xi32>
      %select_n3A_27 = arith.select %or3A, %scan3A_22#0, %scan3A_22#6 : vector<16xi1>, vector<16xf32>
      %select_n3A_28 = arith.select %or3A, %scan3A_22#1, %scan3A_22#7 : vector<16xi1>, vector<16xi32>
      %gt3A_29 = arith.cmpf ogt, %select_n3A_27, %scan3A_22#2 : vector<16xf32>
      %eq3A_30 = arith.cmpf oeq, %select_n3A_27, %scan3A_22#2 : vector<16xf32>
      %lt3A_31 = arith.cmpi slt, %select_n3A_28, %scan3A_22#3 : vector<16xi32>
      %and3A_32 = arith.andi %eq3A_30, %lt3A_31 : vector<16xi1>
      %or3A_33 = arith.ori %gt3A_29, %and3A_32 : vector<16xi1>
      %select_n3A_34 = arith.select %or3A_33, %select_n3A_27, %scan3A_22#2 : vector<16xi1>, vector<16xf32>
      %select_n3A_35 = arith.select %or3A_33, %select_n3A_28, %scan3A_22#3 : vector<16xi1>, vector<16xi32>
      %select_n3A_36 = arith.select %or3A_33, %scan3A_22#2, %select_n3A_27 : vector<16xi1>, vector<16xf32>
      %select_n3A_37 = arith.select %or3A_33, %scan3A_22#3, %select_n3A_28 : vector<16xi1>, vector<16xi32>
      %gt3A_38 = arith.cmpf ogt, %select_n3A_36, %scan3A_22#4 : vector<16xf32>
      %eq3A_39 = arith.cmpf oeq, %select_n3A_36, %scan3A_22#4 : vector<16xf32>
      %lt3A_40 = arith.cmpi slt, %select_n3A_37, %scan3A_22#5 : vector<16xi32>
      %and3A_41 = arith.andi %eq3A_39, %lt3A_40 : vector<16xi1>
      %or3A_42 = arith.ori %gt3A_38, %and3A_41 : vector<16xi1>
      %select_n3A_43 = arith.select %or3A_42, %select_n3A_36, %scan3A_22#4 : vector<16xi1>, vector<16xf32>
      %select_n3A_44 = arith.select %or3A_42, %select_n3A_37, %scan3A_22#5 : vector<16xi1>, vector<16xi32>
      %gt3A_45 = arith.cmpf ogt, %scan3A_22#8, %select_n3A : vector<16xf32>
      %eq3A_46 = arith.cmpf oeq, %scan3A_22#8, %select_n3A : vector<16xf32>
      %lt3A_47 = arith.cmpi slt, %scan3A_22#9, %select_n3A_26 : vector<16xi32>
      %and3A_48 = arith.andi %eq3A_46, %lt3A_47 : vector<16xi1>
      %or3A_49 = arith.ori %gt3A_45, %and3A_48 : vector<16xi1>
      %select_n3A_50 = arith.select %or3A_49, %scan3A_22#8, %select_n3A : vector<16xi1>, vector<16xf32>
      %select_n3A_51 = arith.select %or3A_49, %scan3A_22#9, %select_n3A_26 : vector<16xi1>, vector<16xi32>
      %select_n3A_52 = arith.select %or3A_49, %select_n3A, %scan3A_22#8 : vector<16xi1>, vector<16xf32>
      %select_n3A_53 = arith.select %or3A_49, %select_n3A_26, %scan3A_22#9 : vector<16xi1>, vector<16xi32>
      %gt3A_54 = arith.cmpf ogt, %select_n3A_52, %select_n3A_34 : vector<16xf32>
      %eq3A_55 = arith.cmpf oeq, %select_n3A_52, %select_n3A_34 : vector<16xf32>
      %lt3A_56 = arith.cmpi slt, %select_n3A_53, %select_n3A_35 : vector<16xi32>
      %and3A_57 = arith.andi %eq3A_55, %lt3A_56 : vector<16xi1>
      %or3A_58 = arith.ori %gt3A_54, %and3A_57 : vector<16xi1>
      %select_n3A_59 = arith.select %or3A_58, %select_n3A_52, %select_n3A_34 : vector<16xi1>, vector<16xf32>
      %select_n3A_60 = arith.select %or3A_58, %select_n3A_53, %select_n3A_35 : vector<16xi1>, vector<16xi32>
      %select_n3A_61 = arith.select %or3A_58, %select_n3A_34, %select_n3A_52 : vector<16xi1>, vector<16xf32>
      %select_n3A_62 = arith.select %or3A_58, %select_n3A_35, %select_n3A_53 : vector<16xi1>, vector<16xi32>
      %gt3A_63 = arith.cmpf ogt, %select_n3A_61, %select_n3A_43 : vector<16xf32>
      %eq3A_64 = arith.cmpf oeq, %select_n3A_61, %select_n3A_43 : vector<16xf32>
      %lt3A_65 = arith.cmpi slt, %select_n3A_62, %select_n3A_44 : vector<16xi32>
      %and3A_66 = arith.andi %eq3A_64, %lt3A_65 : vector<16xi1>
      %or3A_67 = arith.ori %gt3A_63, %and3A_66 : vector<16xi1>
      %select_n3A_68 = arith.select %or3A_67, %select_n3A_61, %select_n3A_43 : vector<16xi1>, vector<16xf32>
      %select_n3A_69 = arith.select %or3A_67, %select_n3A_62, %select_n3A_44 : vector<16xi1>, vector<16xi32>
      %gt3A_70 = arith.cmpf ogt, %scan3A_22#10, %select_n3A_50 : vector<16xf32>
      %eq3A_71 = arith.cmpf oeq, %scan3A_22#10, %select_n3A_50 : vector<16xf32>
      %lt3A_72 = arith.cmpi slt, %scan3A_22#11, %select_n3A_51 : vector<16xi32>
      %and3A_73 = arith.andi %eq3A_71, %lt3A_72 : vector<16xi1>
      %or3A_74 = arith.ori %gt3A_70, %and3A_73 : vector<16xi1>
      %select_n3A_75 = arith.select %or3A_74, %scan3A_22#10, %select_n3A_50 : vector<16xi1>, vector<16xf32>
      %select_n3A_76 = arith.select %or3A_74, %scan3A_22#11, %select_n3A_51 : vector<16xi1>, vector<16xi32>
      %select_n3A_77 = arith.select %or3A_74, %select_n3A_50, %scan3A_22#10 : vector<16xi1>, vector<16xf32>
      %select_n3A_78 = arith.select %or3A_74, %select_n3A_51, %scan3A_22#11 : vector<16xi1>, vector<16xi32>
      %gt3A_79 = arith.cmpf ogt, %select_n3A_77, %select_n3A_59 : vector<16xf32>
      %eq3A_80 = arith.cmpf oeq, %select_n3A_77, %select_n3A_59 : vector<16xf32>
      %lt3A_81 = arith.cmpi slt, %select_n3A_78, %select_n3A_60 : vector<16xi32>
      %and3A_82 = arith.andi %eq3A_80, %lt3A_81 : vector<16xi1>
      %or3A_83 = arith.ori %gt3A_79, %and3A_82 : vector<16xi1>
      %select_n3A_84 = arith.select %or3A_83, %select_n3A_77, %select_n3A_59 : vector<16xi1>, vector<16xf32>
      %select_n3A_85 = arith.select %or3A_83, %select_n3A_78, %select_n3A_60 : vector<16xi1>, vector<16xi32>
      %select_n3A_86 = arith.select %or3A_83, %select_n3A_59, %select_n3A_77 : vector<16xi1>, vector<16xf32>
      %select_n3A_87 = arith.select %or3A_83, %select_n3A_60, %select_n3A_78 : vector<16xi1>, vector<16xi32>
      %gt3A_88 = arith.cmpf ogt, %select_n3A_86, %select_n3A_68 : vector<16xf32>
      %eq3A_89 = arith.cmpf oeq, %select_n3A_86, %select_n3A_68 : vector<16xf32>
      %lt3A_90 = arith.cmpi slt, %select_n3A_87, %select_n3A_69 : vector<16xi32>
      %and3A_91 = arith.andi %eq3A_89, %lt3A_90 : vector<16xi1>
      %or3A_92 = arith.ori %gt3A_88, %and3A_91 : vector<16xi1>
      %select_n3A_93 = arith.select %or3A_92, %select_n3A_86, %select_n3A_68 : vector<16xi1>, vector<16xf32>
      %select_n3A_94 = arith.select %or3A_92, %select_n3A_87, %select_n3A_69 : vector<16xi1>, vector<16xi32>
      %reduce_max3A = arith.constant true
      %reduce_max3A_95 = vector.broadcast %reduce_max3A : i1 to vector<16xi1>
      %reduce_max3A_96 = tpu.scan <max>, %select_n3A_75 masked %reduce_max3A_95 : vector<16xf32>, vector<16xi1> -> vector<16xf32>
      %reduce_max3A_97 = vector.extract %reduce_max3A_96[15] : f32 from vector<16xf32>
      %eq3A_98 = vector.broadcast %reduce_max3A_97 : f32 to vector<16xf32>
      %eq3A_99 = arith.cmpf oeq, %select_n3A_75, %eq3A_98 : vector<16xf32>
      %jit3A = arith.constant 2048 : i32
      %broadcast_in_dim3A_100 = vector.broadcast %jit3A : i32 to vector<16xi32>
      %select_n3A_101 = arith.select %eq3A_99, %select_n3A_76, %broadcast_in_dim3A_100 : vector<16xi1>, vector<16xi32>
      %reduce_min3A = arith.constant true
      %reduce_min3A_102 = vector.broadcast %reduce_min3A : i1 to vector<16xi1>
      %reduce_min3A_103 = arith.constant -2147483648 : i32
      %reduce_min3A_104 = vector.broadcast %reduce_min3A_103 : i32 to vector<16xi32>
      %reduce_min3A_105 = arith.xori %select_n3A_101, %reduce_min3A_104 : vector<16xi32>
      %reduce_min3A_106 = tpu.scan <min>, %reduce_min3A_105 masked %reduce_min3A_102 : vector<16xi32>, vector<16xi1> -> vector<16xi32>
      %reduce_min3A_107 = arith.xori %reduce_min3A_106, %reduce_min3A_104 : vector<16xi32>
      %reduce_min3A_108 = vector.extract %reduce_min3A_107[15] : i32 from vector<16xi32>
      %eq3A_109 = vector.broadcast %reduce_min3A_108 : i32 to vector<16xi32>
      %eq3A_110 = arith.cmpi eq, %select_n3A_76, %eq3A_109 : vector<16xi32>
      %select_n3A_111 = arith.select %eq3A_110, %select_n3A_84, %select_n3A_75 : vector<16xi1>, vector<16xf32>
      %select_n3A_112 = arith.select %eq3A_110, %select_n3A_85, %select_n3A_76 : vector<16xi1>, vector<16xi32>
      %select_n3A_113 = arith.select %eq3A_110, %select_n3A_93, %select_n3A_84 : vector<16xi1>, vector<16xf32>
      %select_n3A_114 = arith.select %eq3A_110, %select_n3A_94, %select_n3A_85 : vector<16xi1>, vector<16xi32>
      %select_n3A_115 = arith.select %eq3A_110, %broadcast_in_dim3A_16, %select_n3A_93 : vector<16xi1>, vector<16xf32>
      %reduce_max3A_116 = arith.constant true
      %reduce_max3A_117 = vector.broadcast %reduce_max3A_116 : i1 to vector<16xi1>
      %reduce_max3A_118 = tpu.scan <max>, %select_n3A_111 masked %reduce_max3A_117 : vector<16xf32>, vector<16xi1> -> vector<16xf32>
      %reduce_max3A_119 = vector.extract %reduce_max3A_118[15] : f32 from vector<16xf32>
      %eq3A_120 = vector.broadcast %reduce_max3A_119 : f32 to vector<16xf32>
      %eq3A_121 = arith.cmpf oeq, %select_n3A_111, %eq3A_120 : vector<16xf32>
      %jit3A_122 = arith.constant 2048 : i32
      %broadcast_in_dim3A_123 = vector.broadcast %jit3A_122 : i32 to vector<16xi32>
      %select_n3A_124 = arith.select %eq3A_121, %select_n3A_112, %broadcast_in_dim3A_123 : vector<16xi1>, vector<16xi32>
      %reduce_min3A_125 = arith.constant true
      %reduce_min3A_126 = vector.broadcast %reduce_min3A_125 : i1 to vector<16xi1>
      %reduce_min3A_127 = arith.constant -2147483648 : i32
      %reduce_min3A_128 = vector.broadcast %reduce_min3A_127 : i32 to vector<16xi32>
      %reduce_min3A_129 = arith.xori %select_n3A_124, %reduce_min3A_128 : vector<16xi32>
      %reduce_min3A_130 = tpu.scan <min>, %reduce_min3A_129 masked %reduce_min3A_126 : vector<16xi32>, vector<16xi1> -> vector<16xi32>
      %reduce_min3A_131 = arith.xori %reduce_min3A_130, %reduce_min3A_128 : vector<16xi32>
      %reduce_min3A_132 = vector.extract %reduce_min3A_131[15] : i32 from vector<16xi32>
      %eq3A_133 = vector.broadcast %reduce_min3A_132 : i32 to vector<16xi32>
      %eq3A_134 = arith.cmpi eq, %select_n3A_112, %eq3A_133 : vector<16xi32>
      %select_n3A_135 = arith.select %eq3A_134, %select_n3A_113, %select_n3A_111 : vector<16xi1>, vector<16xf32>
      %select_n3A_136 = arith.select %eq3A_134, %select_n3A_114, %select_n3A_112 : vector<16xi1>, vector<16xi32>
      %select_n3A_137 = arith.select %eq3A_134, %select_n3A_115, %select_n3A_113 : vector<16xi1>, vector<16xf32>
      %select_n3A_138 = arith.select %eq3A_134, %select_n3A_94, %select_n3A_114 : vector<16xi1>, vector<16xi32>
      %select_n3A_139 = arith.select %eq3A_134, %broadcast_in_dim3A_16, %select_n3A_115 : vector<16xi1>, vector<16xf32>
      %reduce_max3A_140 = arith.constant true
      %reduce_max3A_141 = vector.broadcast %reduce_max3A_140 : i1 to vector<16xi1>
      %reduce_max3A_142 = tpu.scan <max>, %select_n3A_135 masked %reduce_max3A_141 : vector<16xf32>, vector<16xi1> -> vector<16xf32>
      %reduce_max3A_143 = vector.extract %reduce_max3A_142[15] : f32 from vector<16xf32>
      %eq3A_144 = vector.broadcast %reduce_max3A_143 : f32 to vector<16xf32>
      %eq3A_145 = arith.cmpf oeq, %select_n3A_135, %eq3A_144 : vector<16xf32>
      %jit3A_146 = arith.constant 2048 : i32
      %broadcast_in_dim3A_147 = vector.broadcast %jit3A_146 : i32 to vector<16xi32>
      %select_n3A_148 = arith.select %eq3A_145, %select_n3A_136, %broadcast_in_dim3A_147 : vector<16xi1>, vector<16xi32>
      %reduce_min3A_149 = arith.constant true
      %reduce_min3A_150 = vector.broadcast %reduce_min3A_149 : i1 to vector<16xi1>
      %reduce_min3A_151 = arith.constant -2147483648 : i32
      %reduce_min3A_152 = vector.broadcast %reduce_min3A_151 : i32 to vector<16xi32>
      %reduce_min3A_153 = arith.xori %select_n3A_148, %reduce_min3A_152 : vector<16xi32>
      %reduce_min3A_154 = tpu.scan <min>, %reduce_min3A_153 masked %reduce_min3A_150 : vector<16xi32>, vector<16xi1> -> vector<16xi32>
      %reduce_min3A_155 = arith.xori %reduce_min3A_154, %reduce_min3A_152 : vector<16xi32>
      %reduce_min3A_156 = vector.extract %reduce_min3A_155[15] : i32 from vector<16xi32>
      %eq3A_157 = vector.broadcast %reduce_min3A_156 : i32 to vector<16xi32>
      %eq3A_158 = arith.cmpi eq, %select_n3A_136, %eq3A_157 : vector<16xi32>
      %select_n3A_159 = arith.select %eq3A_158, %select_n3A_137, %select_n3A_135 : vector<16xi1>, vector<16xf32>
      %select_n3A_160 = arith.select %eq3A_158, %select_n3A_138, %select_n3A_136 : vector<16xi1>, vector<16xi32>
      %select_n3A_161 = arith.select %eq3A_158, %select_n3A_139, %select_n3A_137 : vector<16xi1>, vector<16xf32>
      %select_n3A_162 = arith.select %eq3A_158, %select_n3A_94, %select_n3A_138 : vector<16xi1>, vector<16xi32>
      %select_n3A_163 = arith.select %eq3A_158, %broadcast_in_dim3A_16, %select_n3A_139 : vector<16xi1>, vector<16xf32>
      %eq3A_164 = arith.constant 1 : i32
      %eq3A_165 = vector.broadcast %eq3A_164 : i32 to vector<16xi32>
      %eq3A_166 = arith.cmpi eq, %iota3A, %eq3A_165 : vector<16xi32>
      %eq3A_167 = arith.constant 2 : i32
      %eq3A_168 = vector.broadcast %eq3A_167 : i32 to vector<16xi32>
      %eq3A_169 = arith.cmpi eq, %iota3A, %eq3A_168 : vector<16xi32>
      %broadcast_in_dim3A_170 = vector.broadcast %reduce_min3A_156 : i32 to vector<16xi32>
      %broadcast_in_dim3A_171 = vector.broadcast %reduce_min3A_108 : i32 to vector<16xi32>
      %select_n3A_172 = arith.select %eq3A_169, %broadcast_in_dim3A_170, %broadcast_in_dim3A_171 : vector<16xi1>, vector<16xi32>
      %broadcast_in_dim3A_173 = vector.broadcast %reduce_min3A_132 : i32 to vector<16xi32>
      %select_n3A_174 = arith.select %eq3A_166, %broadcast_in_dim3A_173, %select_n3A_172 : vector<16xi1>, vector<16xi32>
      %dma_wait3A_175 = arith.constant 0 : i32
      %dma_wait3A_176 = arith.constant 0 : i32
      %dma_wait3A_177 = tpu.memref_slice %arg4[%dma_wait3A_175, %dma_wait3A_176] : memref<8x2048xf32, #tpu.memory_space<hbm>> -> memref<1x2048xf32, #tpu.memory_space<hbm>>
      %dma_wait3A_178 = tpu.memref_squeeze %dma_wait3A_177 : memref<1x2048xf32, #tpu.memory_space<hbm>> -> memref<2048xf32, #tpu.memory_space<hbm>>
      %dma_wait3A_179 = arith.constant 0 : i32
      %dma_wait3A_180 = tpu.memref_slice %arg4[%dma_wait3A_175, %dma_wait3A_179] : memref<8x2048xf32, #tpu.memory_space<hbm>> -> memref<1x2048xf32, #tpu.memory_space<hbm>>
      %dma_wait3A_181 = tpu.memref_squeeze %dma_wait3A_180 : memref<1x2048xf32, #tpu.memory_space<hbm>> -> memref<2048xf32, #tpu.memory_space<hbm>>
      tpu.wait_dma2 semaphore(%arg20 : memref<!tpu.dma_semaphore, #tpu.memory_space<semaphore_mem>>) src(%dma_wait3A_181 : memref<2048xf32, #tpu.memory_space<hbm>>) dst(%arg12 : memref<2048xf32, #tpu.memory_space<vmem>>)
      %gather3A = tpu.vector_load_idx %arg12[%select_n3A_174] : memref<2048xf32, #tpu.memory_space<vmem>>[vector<16xi32>], vector<16xf32>,
      %lt3A_182 = arith.constant 3 : i32
      %lt3A_183 = vector.broadcast %lt3A_182 : i32 to vector<16xi32>
      %lt3A_184 = arith.cmpi slt, %iota3A, %lt3A_183 : vector<16xi32>
      %jit3A_185 = arith.constant 0.000000e+00 : f32
      %broadcast_in_dim3A_186 = vector.broadcast %jit3A_185 : f32 to vector<16xf32>
      %select_n3A_187 = arith.select %lt3A_184, %gather3A, %broadcast_in_dim3A_186 : vector<16xi1>, vector<16xf32>
      %reduce_sum3A = arith.constant true
      %reduce_sum3A_188 = vector.broadcast %reduce_sum3A : i1 to vector<16xi1>
      %reduce_sum3A_189 = tpu.scan <sum>, %select_n3A_187 masked %reduce_sum3A_188 : vector<16xf32>, vector<16xi1> -> vector<16xf32>
      %reduce_sum3A_190 = vector.extract %reduce_sum3A_189[15] : f32 from vector<16xf32>
      %mul3A = arith.constant 0.333333343 : f32
      %mul3A_191 = arith.mulf %reduce_sum3A_190, %mul3A : f32
      %lt3A_192 = arith.constant 8 : i32
      %lt3A_193 = arith.cmpi slt, %arg1, %lt3A_192 : i32
      %sub3A = arith.constant 8 : i32
      %sub3A_194 = arith.subi %arg1, %sub3A : i32
      %select_n3A_195 = arith.select %lt3A_193, %arg1, %sub3A_194 : i32
      %mul3A_196 = arith.constant 2048 : i32
      %mul3A_197 = arith.muli %select_n3A_195, %mul3A_196 : i32
      %add3A = vector.broadcast %mul3A_197 : i32 to vector<16xi32>
      %add3A_198 = arith.addi %add3A, %select_n3A_174 : vector<16xi32>
      %lt3A_199 = arith.constant 8 : i32
      %lt3A_200 = arith.cmpi slt, %arg1, %lt3A_199 : i32
      %convert_element_type3A_201 = arith.extui %lt3A_200 : i1 to i32
      %cond3A_202 = arith.constant 0 : i32
      %cond3A_203 = arith.cmpi ne, %convert_element_type3A_201, %cond3A_202 : i32
      scf.if %cond3A_203 {
        %dma_start3A = arith.constant 0 : i32
        %dma_start3A_240 = arith.constant 0 : i32
        %dma_start3A_241 = tpu.memref_slice %arg6[%dma_start3A, %dma_start3A_240] : memref<16384x2048xf32, #tpu.memory_space<hbm>> -> memref<16384x2048xf32, #tpu.memory_space<hbm>>
        tpu.enqueue_indirect_dma source(%dma_start3A_241 : memref<16384x2048xf32, #tpu.memory_space<hbm>>) target(%arg13 : memref<16x2048xf32, #tpu.memory_space<vmem>>) offsets(%add3A_198 : vector<16xi32>) semaphore(%arg19 : memref<!tpu.dma_semaphore, #tpu.memory_space<semaphore_mem>>)
        %dma_wait3A_242 = arith.constant 0 : i32
        %dma_wait3A_243 = arith.constant 0 : i32
        %dma_wait3A_244 = tpu.memref_slice %arg6[%dma_wait3A_242, %dma_wait3A_243] : memref<16384x2048xf32, #tpu.memory_space<hbm>> -> memref<16384x2048xf32, #tpu.memory_space<hbm>>
        tpu.wait_indirect_dma semaphore(%arg19 : memref<!tpu.dma_semaphore, #tpu.memory_space<semaphore_mem>>) src(%dma_wait3A_244 : memref<16384x2048xf32, #tpu.memory_space<hbm>>) dst(%arg13 : memref<16x2048xf32, #tpu.memory_space<vmem>>)
      } else {
      }
      %ge3A_204 = arith.constant 8 : i32
      %ge3A_205 = arith.cmpi sge, %arg1, %ge3A_204 : i32
      %convert_element_type3A_206 = arith.extui %ge3A_205 : i1 to i32
      %cond3A_207 = arith.constant 0 : i32
      %cond3A_208 = arith.cmpi ne, %convert_element_type3A_206, %cond3A_207 : i32
      scf.if %cond3A_208 {
        %dma_start3A = arith.constant 0 : i32
        %dma_start3A_240 = arith.constant 0 : i32
        %dma_start3A_241 = tpu.memref_slice %arg7[%dma_start3A, %dma_start3A_240] : memref<16384x2048xf32, #tpu.memory_space<hbm>> -> memref<16384x2048xf32, #tpu.memory_space<hbm>>
        tpu.enqueue_indirect_dma source(%dma_start3A_241 : memref<16384x2048xf32, #tpu.memory_space<hbm>>) target(%arg13 : memref<16x2048xf32, #tpu.memory_space<vmem>>) offsets(%add3A_198 : vector<16xi32>) semaphore(%arg19 : memref<!tpu.dma_semaphore, #tpu.memory_space<semaphore_mem>>)
        %dma_wait3A_242 = arith.constant 0 : i32
        %dma_wait3A_243 = arith.constant 0 : i32
        %dma_wait3A_244 = tpu.memref_slice %arg7[%dma_wait3A_242, %dma_wait3A_243] : memref<16384x2048xf32, #tpu.memory_space<hbm>> -> memref<16384x2048xf32, #tpu.memory_space<hbm>>
        tpu.wait_indirect_dma semaphore(%arg19 : memref<!tpu.dma_semaphore, #tpu.memory_space<semaphore_mem>>) src(%dma_wait3A_244 : memref<16384x2048xf32, #tpu.memory_space<hbm>>) dst(%arg13 : memref<16x2048xf32, #tpu.memory_space<vmem>>)
      } else {
      }
      %broadcast_in_dim3A_209 = arith.constant 0.000000e+00 : f32
      %broadcast_in_dim3A_210 = vector.broadcast %broadcast_in_dim3A_209 : f32 to vector<16xf32>
      %scan3A_211 = arith.constant 0 : i32
      %scan3A_212 = arith.constant 64 : i32
      %scan3A_213 = arith.addi %scan3A_211, %scan3A_212 : i32
      %scan3A_214 = arith.constant 1 : i32
      %scan3A_215:2 = scf.for %scan3A_240 = %scan3A_211 to %scan3A_213 step %scan3A_214 iter_args(%scan3A_241 = %broadcast_in_dim3A_210, %scan3A_242 = %broadcast_in_dim3A_210) -> (vector<16xf32>, vector<16xf32>)  : i32 {
        %mul3A_243 = arith.constant 2 : i32
        %mul3A_244 = arith.muli %mul3A_243, %scan3A_240 : i32
        %mul3A_245 = arith.constant 16 : i32
        %mul3A_246 = arith.muli %mul3A_244, %mul3A_245 : i32
        %mul3A_247 = arith.constant 2 : i32
        %mul3A_248 = arith.muli %mul3A_247, %scan3A_240 : i32
        %add3A_249 = arith.constant 1 : i32
        %add3A_250 = arith.addi %mul3A_248, %add3A_249 : i32
        %mul3A_251 = arith.constant 16 : i32
        %mul3A_252 = arith.muli %add3A_250, %mul3A_251 : i32
        %get3A = arith.constant 0 : i32
        %get3A_253 = arith.index_cast %get3A : i32 to index
        %get3A_254 = arith.index_cast %mul3A_246 : i32 to index
        %get3A_255 = tpu.vector_load %arg13[%get3A_253, %get3A_254] {strides = array<i32>} : memref<16x2048xf32, #tpu.memory_space<vmem>>, vector<16xf32>,
        %get3A_256 = arith.constant 1 : i32
        %get3A_257 = arith.index_cast %get3A_256 : i32 to index
        %get3A_258 = arith.index_cast %mul3A_246 : i32 to index
        %get3A_259 = tpu.vector_load %arg13[%get3A_257, %get3A_258] {strides = array<i32>} : memref<16x2048xf32, #tpu.memory_space<vmem>>, vector<16xf32>,
        %add3A_260 = arith.addf %get3A_255, %get3A_259 : vector<16xf32>
        %get3A_261 = arith.constant 2 : i32
        %get3A_262 = arith.index_cast %get3A_261 : i32 to index
        %get3A_263 = arith.index_cast %mul3A_246 : i32 to index
        %get3A_264 = tpu.vector_load %arg13[%get3A_262, %get3A_263] {strides = array<i32>} : memref<16x2048xf32, #tpu.memory_space<vmem>>, vector<16xf32>,
        %add3A_265 = arith.addf %add3A_260, %get3A_264 : vector<16xf32>
        %mul3A_266 = arith.constant 0.333333343 : f32
        %mul3A_267 = vector.broadcast %mul3A_266 : f32 to vector<16xf32>
        %mul3A_268 = arith.mulf %add3A_265, %mul3A_267 : vector<16xf32>
        %get3A_269 = arith.constant 0 : i32
        %get3A_270 = arith.index_cast %get3A_269 : i32 to index
        %get3A_271 = arith.index_cast %mul3A_252 : i32 to index
        %get3A_272 = tpu.vector_load %arg13[%get3A_270, %get3A_271] {strides = array<i32>} : memref<16x2048xf32, #tpu.memory_space<vmem>>, vector<16xf32>,
        %get3A_273 = arith.constant 1 : i32
        %get3A_274 = arith.index_cast %get3A_273 : i32 to index
        %get3A_275 = arith.index_cast %mul3A_252 : i32 to index
        %get3A_276 = tpu.vector_load %arg13[%get3A_274, %get3A_275] {strides = array<i32>} : memref<16x2048xf32, #tpu.memory_space<vmem>>, vector<16xf32>,
        %add3A_277 = arith.addf %get3A_272, %get3A_276 : vector<16xf32>
        %get3A_278 = arith.constant 2 : i32
        %get3A_279 = arith.index_cast %get3A_278 : i32 to index
        %get3A_280 = arith.index_cast %mul3A_252 : i32 to index
        %get3A_281 = tpu.vector_load %arg13[%get3A_279, %get3A_280] {strides = array<i32>} : memref<16x2048xf32, #tpu.memory_space<vmem>>, vector<16xf32>,
        %add3A_282 = arith.addf %add3A_277, %get3A_281 : vector<16xf32>
        %mul3A_283 = arith.constant 0.333333343 : f32
        %mul3A_284 = vector.broadcast %mul3A_283 : f32 to vector<16xf32>
        %mul3A_285 = arith.mulf %add3A_282, %mul3A_284 : vector<16xf32>
        %mul3A_286 = arith.mulf %mul3A_268, %mul3A_268 : vector<16xf32>
        %add3A_287 = arith.addf %scan3A_241, %mul3A_286 : vector<16xf32>
        %mul3A_288 = arith.mulf %mul3A_285, %mul3A_285 : vector<16xf32>
        %add3A_289 = arith.addf %scan3A_242, %mul3A_288 : vector<16xf32>
        scf.yield %add3A_287, %add3A_289 : vector<16xf32>, vector<16xf32>
      }
      %scan3A_216 = arith.constant 64 : i32
      %add3A_217 = arith.addf %scan3A_215#0, %scan3A_215#1 : vector<16xf32>
      %reduce_sum3A_218 = arith.constant true
      %reduce_sum3A_219 = vector.broadcast %reduce_sum3A_218 : i1 to vector<16xi1>
      %reduce_sum3A_220 = tpu.scan <sum>, %add3A_217 masked %reduce_sum3A_219 : vector<16xf32>, vector<16xi1> -> vector<16xf32>
      %reduce_sum3A_221 = vector.extract %reduce_sum3A_220[15] : f32 from vector<16xf32>
      %eq3A_222 = arith.constant 0 : i32
      %eq3A_223 = vector.broadcast %eq3A_222 : i32 to vector<16xi32>
      %eq3A_224 = arith.cmpi eq, %iota3A, %eq3A_223 : vector<16xi32>
      %eq3A_225 = arith.constant 1 : i32
      %eq3A_226 = vector.broadcast %eq3A_225 : i32 to vector<16xi32>
      %eq3A_227 = arith.cmpi eq, %iota3A, %eq3A_226 : vector<16xi32>
      %jit3A_228 = arith.constant 0.000000e+00 : f32
      %broadcast_in_dim3A_229 = vector.broadcast %mul3A_191 : f32 to vector<16xf32>
      %broadcast_in_dim3A_230 = vector.broadcast %jit3A_228 : f32 to vector<16xf32>
      %select_n3A_231 = arith.select %eq3A_227, %broadcast_in_dim3A_229, %broadcast_in_dim3A_230 : vector<16xi1>, vector<16xf32>
      %broadcast_in_dim3A_232 = vector.broadcast %reduce_sum3A_221 : f32 to vector<16xf32>
      %select_n3A_233 = arith.select %eq3A_224, %broadcast_in_dim3A_232, %select_n3A_231 : vector<16xi1>, vector<16xf32>
      %swap3A = arith.constant 0 : index
      %swap3A_234 = tpu.vector_load %arg14[%swap3A] {strides = array<i32>} : memref<16xf32, #tpu.memory_space<vmem>>, vector<16xf32>,
      tpu.vector_store %arg14[%swap3A], %select_n3A_233 {strides = array<i32>} : memref<16xf32, #tpu.memory_space<vmem>>, vector<16xf32>,
      "tpu.region"() ({
        %run_scoped3A = tpu.sem_alloc : memref<!tpu.dma_semaphore, #tpu.memory_space<semaphore_mem>>
        %dma_start3A = arith.constant 0 : i32
        %dma_start3A_240 = tpu.memref_slice %arg10[%arg1, %dma_start3A] : memref<16x16xf32, #tpu.memory_space<hbm>> -> memref<1x16xf32, #tpu.memory_space<hbm>>
        %dma_start3A_241 = tpu.memref_squeeze %dma_start3A_240 : memref<1x16xf32, #tpu.memory_space<hbm>> -> memref<16xf32, #tpu.memory_space<hbm>>
        %dma_start3A_242 = arith.constant 0 : i32
        %dma_start3A_243 = tpu.memref_slice %arg10[%arg1, %dma_start3A_242] : memref<16x16xf32, #tpu.memory_space<hbm>> -> memref<1x16xf32, #tpu.memory_space<hbm>>
        %dma_start3A_244 = tpu.memref_squeeze %dma_start3A_243 : memref<1x16xf32, #tpu.memory_space<hbm>> -> memref<16xf32, #tpu.memory_space<hbm>>
        tpu.enqueue_dma source(%arg14 : memref<16xf32, #tpu.memory_space<vmem>>) target(%dma_start3A_244 : memref<16xf32, #tpu.memory_space<hbm>>) target_semaphore(%run_scoped3A : memref<!tpu.dma_semaphore, #tpu.memory_space<semaphore_mem>>)
        %dma_wait3A_245 = arith.constant 0 : i32
        %dma_wait3A_246 = tpu.memref_slice %arg10[%arg1, %dma_wait3A_245] : memref<16x16xf32, #tpu.memory_space<hbm>> -> memref<1x16xf32, #tpu.memory_space<hbm>>
        %dma_wait3A_247 = tpu.memref_squeeze %dma_wait3A_246 : memref<1x16xf32, #tpu.memory_space<hbm>> -> memref<16xf32, #tpu.memory_space<hbm>>
        %dma_wait3A_248 = arith.constant 0 : i32
        %dma_wait3A_249 = tpu.memref_slice %arg10[%arg1, %dma_wait3A_248] : memref<16x16xf32, #tpu.memory_space<hbm>> -> memref<1x16xf32, #tpu.memory_space<hbm>>
        %dma_wait3A_250 = tpu.memref_squeeze %dma_wait3A_249 : memref<1x16xf32, #tpu.memory_space<hbm>> -> memref<16xf32, #tpu.memory_space<hbm>>
        tpu.wait_dma2 semaphore(%run_scoped3A : memref<!tpu.dma_semaphore, #tpu.memory_space<semaphore_mem>>) src(%arg14 : memref<16xf32, #tpu.memory_space<vmem>>) dst(%dma_wait3A_250 : memref<16xf32, #tpu.memory_space<hbm>>)
        tpu.yield
      }) : () -> ()
      %barrier3A = arith.constant 0 : index
      tpu.barrier barrier_id(%barrier3A)
      %eq3A_235 = arith.constant 0 : i32
      %eq3A_236 = arith.cmpi eq, %arg1, %eq3A_235 : i32
      %convert_element_type3A_237 = arith.extui %eq3A_236 : i1 to i32
      %cond3A_238 = arith.constant 0 : i32
      %cond3A_239 = arith.cmpi ne, %convert_element_type3A_237, %cond3A_238 : i32
      scf.if %cond3A_239 {
        "tpu.region"() ({
          %run_scoped3A = tpu.sem_alloc : memref<!tpu.dma_semaphore, #tpu.memory_space<semaphore_mem>>
          tpu.enqueue_dma source(%arg10 : memref<16x16xf32, #tpu.memory_space<hbm>>) target(%arg18 : memref<16x16xf32, #tpu.memory_space<vmem>>) target_semaphore(%run_scoped3A : memref<!tpu.dma_semaphore, #tpu.memory_space<semaphore_mem>>)
          tpu.wait_dma2 semaphore(%run_scoped3A : memref<!tpu.dma_semaphore, #tpu.memory_space<semaphore_mem>>) src(%arg10 : memref<16x16xf32, #tpu.memory_space<hbm>>) dst(%arg18 : memref<16x16xf32, #tpu.memory_space<vmem>>)
          tpu.yield
        }) : () -> ()
        "tpu.region"() ({
          %run_scoped3A = tpu.sem_alloc : memref<!tpu.dma_semaphore, #tpu.memory_space<semaphore_mem>>
          tpu.enqueue_dma source(%arg8 : memref<16xf32, #tpu.memory_space<hbm>>) target(%arg17 : memref<16xf32, #tpu.memory_space<vmem>>) target_semaphore(%run_scoped3A : memref<!tpu.dma_semaphore, #tpu.memory_space<semaphore_mem>>)
          tpu.wait_dma2 semaphore(%run_scoped3A : memref<!tpu.dma_semaphore, #tpu.memory_space<semaphore_mem>>) src(%arg8 : memref<16xf32, #tpu.memory_space<hbm>>) dst(%arg17 : memref<16xf32, #tpu.memory_space<vmem>>)
          tpu.yield
        }) : () -> ()
        %broadcast_in_dim3A_240 = arith.constant 0 : i32
        %broadcast_in_dim3A_241 = vector.broadcast %broadcast_in_dim3A_240 : i32 to vector<16xi32>
        %gather3A_242 = tpu.vector_load_idx %arg18[%iota3A, %broadcast_in_dim3A_241] : memref<16x16xf32, #tpu.memory_space<vmem>>[vector<16xi32>, vector<16xi32>], vector<16xf32>,
        %add3A_243 = arith.constant 1 : i32
        %add3A_244 = vector.broadcast %add3A_243 : i32 to vector<16xi32>
        %add3A_245 = arith.addi %broadcast_in_dim3A_241, %add3A_244 : vector<16xi32>
        %gather3A_246 = tpu.vector_load_idx %arg18[%iota3A, %add3A_245] : memref<16x16xf32, #tpu.memory_space<vmem>>[vector<16xi32>, vector<16xi32>], vector<16xf32>,
        %bitcast3A = vector.bitcast %gather3A_242 : vector<16xf32> to vector<16xi32>
        %shift_right_arithmetic3A = arith.constant 1 : i32
        %shift_right_arithmetic3A_247 = vector.broadcast %shift_right_arithmetic3A : i32 to vector<16xi32>
        %shift_right_arithmetic3A_248 = arith.shrsi %bitcast3A, %shift_right_arithmetic3A_247 : vector<16xi32>
        %sub3A_249 = arith.constant 1597463007 : i32
        %sub3A_250 = vector.broadcast %sub3A_249 : i32 to vector<16xi32>
        %sub3A_251 = arith.subi %sub3A_250, %shift_right_arithmetic3A_248 : vector<16xi32>
        %bitcast3A_252 = vector.bitcast %sub3A_251 : vector<16xi32> to vector<16xf32>
        %mul3A_253 = arith.constant 5.000000e-01 : f32
        %mul3A_254 = vector.broadcast %mul3A_253 : f32 to vector<16xf32>
        %mul3A_255 = arith.mulf %mul3A_254, %gather3A_242 : vector<16xf32>
        %mul3A_256 = arith.mulf %mul3A_255, %bitcast3A_252 : vector<16xf32>
        %mul3A_257 = arith.mulf %mul3A_256, %bitcast3A_252 : vector<16xf32>
        %sub3A_258 = arith.constant 1.500000e+00 : f32
        %sub3A_259 = vector.broadcast %sub3A_258 : f32 to vector<16xf32>
        %sub3A_260 = arith.subf %sub3A_259, %mul3A_257 : vector<16xf32>
        %mul3A_261 = arith.mulf %bitcast3A_252, %sub3A_260 : vector<16xf32>
        %mul3A_262 = arith.constant 5.000000e-01 : f32
        %mul3A_263 = vector.broadcast %mul3A_262 : f32 to vector<16xf32>
        %mul3A_264 = arith.mulf %mul3A_263, %gather3A_242 : vector<16xf32>
        %mul3A_265 = arith.mulf %mul3A_264, %mul3A_261 : vector<16xf32>
        %mul3A_266 = arith.mulf %mul3A_265, %mul3A_261 : vector<16xf32>
        %sub3A_267 = arith.constant 1.500000e+00 : f32
        %sub3A_268 = vector.broadcast %sub3A_267 : f32 to vector<16xf32>
        %sub3A_269 = arith.subf %sub3A_268, %mul3A_266 : vector<16xf32>
        %mul3A_270 = arith.mulf %mul3A_261, %sub3A_269 : vector<16xf32>
        %mul3A_271 = arith.constant 5.000000e-01 : f32
        %mul3A_272 = vector.broadcast %mul3A_271 : f32 to vector<16xf32>
        %mul3A_273 = arith.mulf %mul3A_272, %gather3A_242 : vector<16xf32>
        %mul3A_274 = arith.mulf %mul3A_273, %mul3A_270 : vector<16xf32>
        %mul3A_275 = arith.mulf %mul3A_274, %mul3A_270 : vector<16xf32>
        %sub3A_276 = arith.constant 1.500000e+00 : f32
        %sub3A_277 = vector.broadcast %sub3A_276 : f32 to vector<16xf32>
        %sub3A_278 = arith.subf %sub3A_277, %mul3A_275 : vector<16xf32>
        %mul3A_279 = arith.mulf %mul3A_270, %sub3A_278 : vector<16xf32>
        %mul3A_280 = arith.mulf %gather3A_242, %mul3A_279 : vector<16xf32>
        %swap3A_281 = arith.constant 0 : index
        %swap3A_282 = tpu.vector_load %arg15[%swap3A_281] {strides = array<i32>} : memref<16xf32, #tpu.memory_space<vmem>>, vector<16xf32>,
        tpu.vector_store %arg15[%swap3A_281], %mul3A_280 {strides = array<i32>} : memref<16xf32, #tpu.memory_space<vmem>>, vector<16xf32>,
        %swap3A_283 = arith.constant 0 : index
        %swap3A_284 = tpu.vector_load %arg16[%swap3A_283] {strides = array<i32>} : memref<16xf32, #tpu.memory_space<vmem>>, vector<16xf32>,
        tpu.vector_store %arg16[%swap3A_283], %gather3A_246 {strides = array<i32>} : memref<16xf32, #tpu.memory_space<vmem>>, vector<16xf32>,
        %add3A_285 = arith.constant 8 : i32
        %add3A_286 = vector.broadcast %add3A_285 : i32 to vector<16xi32>
        %add3A_287 = arith.addi %iota3A, %add3A_286 : vector<16xi32>
        %and3A_288 = arith.constant 15 : i32
        %and3A_289 = vector.broadcast %and3A_288 : i32 to vector<16xi32>
        %and3A_290 = arith.andi %add3A_287, %and3A_289 : vector<16xi32>
        %gather3A_291 = tpu.vector_load_idx %arg15[%and3A_290] : memref<16xf32, #tpu.memory_space<vmem>>[vector<16xi32>], vector<16xf32>,
        %gather3A_292 = tpu.vector_load_idx %arg16[%and3A_290] : memref<16xf32, #tpu.memory_space<vmem>>[vector<16xi32>], vector<16xf32>,
        %sub3A_293 = arith.constant 1.000000e+02 : f32
        %sub3A_294 = vector.broadcast %sub3A_293 : f32 to vector<16xf32>
        %sub3A_295 = arith.subf %sub3A_294, %mul3A_280 : vector<16xf32>
        %abs3A = math.absf %sub3A_295 : vector<16xf32>
        %add3A_296 = arith.addf %abs3A, %gather3A_291 : vector<16xf32>
        %add3A_297 = arith.addf %abs3A, %gather3A_291 : vector<16xf32>
        %mul3A_298 = arith.mulf %add3A_296, %add3A_297 : vector<16xf32>
        %lt3A_299 = arith.constant 8 : i32
        %lt3A_300 = vector.broadcast %lt3A_299 : i32 to vector<16xi32>
        %lt3A_301 = arith.cmpi slt, %iota3A, %lt3A_300 : vector<16xi32>
        %jit3A_302 = arith.constant 0.000000e+00 : f32
        %broadcast_in_dim3A_303 = vector.broadcast %jit3A_302 : f32 to vector<16xf32>
        %select_n3A_304 = arith.select %lt3A_301, %mul3A_298, %broadcast_in_dim3A_303 : vector<16xi1>, vector<16xf32>
        %reduce_sum3A_305 = arith.constant true
        %reduce_sum3A_306 = vector.broadcast %reduce_sum3A_305 : i1 to vector<16xi1>
        %reduce_sum3A_307 = tpu.scan <sum>, %select_n3A_304 masked %reduce_sum3A_306 : vector<16xf32>, vector<16xi1> -> vector<16xf32>
        %reduce_sum3A_308 = vector.extract %reduce_sum3A_307[15] : f32 from vector<16xf32>
        %mul3A_309 = arith.constant 1.250000e-01 : f32
        %mul3A_310 = arith.mulf %reduce_sum3A_308, %mul3A_309 : f32
        %get3A = arith.constant 0 : index
        %get3A_311 = tpu.vector_load %arg17[%get3A] {strides = array<i32>} : memref<16xf32, #tpu.memory_space<vmem>>, vector<16xf32>,
        %bitcast3A_312 = vector.bitcast %gather3A_292 : vector<16xf32> to vector<16xi32>
        %shift_right_arithmetic3A_313 = arith.constant 23 : i32
        %shift_right_arithmetic3A_314 = vector.broadcast %shift_right_arithmetic3A_313 : i32 to vector<16xi32>
        %shift_right_arithmetic3A_315 = arith.shrsi %bitcast3A_312, %shift_right_arithmetic3A_314 : vector<16xi32>
        %sub3A_316 = arith.constant 127 : i32
        %sub3A_317 = vector.broadcast %sub3A_316 : i32 to vector<16xi32>
        %sub3A_318 = arith.subi %shift_right_arithmetic3A_315, %sub3A_317 : vector<16xi32>
        %convert_element_type3A_319 = arith.sitofp %sub3A_318 : vector<16xi32> to vector<16xf32>
        %and3A_320 = arith.constant 8388607 : i32
        %and3A_321 = vector.broadcast %and3A_320 : i32 to vector<16xi32>
        %and3A_322 = arith.andi %bitcast3A_312, %and3A_321 : vector<16xi32>
        %or3A_323 = arith.constant 1065353216 : i32
        %or3A_324 = vector.broadcast %or3A_323 : i32 to vector<16xi32>
        %or3A_325 = arith.ori %and3A_322, %or3A_324 : vector<16xi32>
        %bitcast3A_326 = vector.bitcast %or3A_325 : vector<16xi32> to vector<16xf32>
        %sub3A_327 = arith.constant 1.000000e+00 : f32
        %sub3A_328 = vector.broadcast %sub3A_327 : f32 to vector<16xf32>
        %sub3A_329 = arith.subf %bitcast3A_326, %sub3A_328 : vector<16xf32>
        %add3A_330 = arith.constant 1.000000e+00 : f32
        %add3A_331 = vector.broadcast %add3A_330 : f32 to vector<16xf32>
        %add3A_332 = arith.addf %bitcast3A_326, %add3A_331 : vector<16xf32>
        %div3A = arith.divf %sub3A_329, %add3A_332 : vector<16xf32>
        %mul3A_333 = arith.mulf %div3A, %div3A : vector<16xf32>
        %mul3A_334 = arith.constant 0.222222224 : f32
        %mul3A_335 = vector.broadcast %mul3A_334 : f32 to vector<16xf32>
        %mul3A_336 = arith.mulf %mul3A_333, %mul3A_335 : vector<16xf32>
        %add3A_337 = arith.constant 0.285714298 : f32
        %add3A_338 = vector.broadcast %add3A_337 : f32 to vector<16xf32>
        %add3A_339 = arith.addf %add3A_338, %mul3A_336 : vector<16xf32>
        %mul3A_340 = arith.mulf %mul3A_333, %add3A_339 : vector<16xf32>
        %add3A_341 = arith.constant 4.000000e-01 : f32
        %add3A_342 = vector.broadcast %add3A_341 : f32 to vector<16xf32>
        %add3A_343 = arith.addf %add3A_342, %mul3A_340 : vector<16xf32>
        %mul3A_344 = arith.mulf %mul3A_333, %add3A_343 : vector<16xf32>
        %add3A_345 = arith.constant 0.666666627 : f32
        %add3A_346 = vector.broadcast %add3A_345 : f32 to vector<16xf32>
        %add3A_347 = arith.addf %add3A_346, %mul3A_344 : vector<16xf32>
        %mul3A_348 = arith.mulf %mul3A_333, %add3A_347 : vector<16xf32>
        %add3A_349 = arith.constant 2.000000e+00 : f32
        %add3A_350 = vector.broadcast %add3A_349 : f32 to vector<16xf32>
        %add3A_351 = arith.addf %add3A_350, %mul3A_348 : vector<16xf32>
        %mul3A_352 = arith.constant 0.693147182 : f32
        %mul3A_353 = vector.broadcast %mul3A_352 : f32 to vector<16xf32>
        %mul3A_354 = arith.mulf %convert_element_type3A_319, %mul3A_353 : vector<16xf32>
        %mul3A_355 = arith.mulf %div3A, %add3A_351 : vector<16xf32>
        %add3A_356 = arith.addf %mul3A_354, %mul3A_355 : vector<16xf32>
        %lt3A_357 = arith.constant 9.99999991E-38 : f32
        %lt3A_358 = vector.broadcast %lt3A_357 : f32 to vector<16xf32>
        %lt3A_359 = arith.cmpf olt, %gather3A_292, %lt3A_358 : vector<16xf32>
        %jit3A_360 = arith.constant -1.000000e+04 : f32
        %broadcast_in_dim3A_361 = vector.broadcast %jit3A_360 : f32 to vector<16xf32>
        %select_n3A_362 = arith.select %lt3A_359, %broadcast_in_dim3A_361, %add3A_356 : vector<16xi1>, vector<16xf32>
        %max3A = arith.constant -1.000000e+02 : f32
        %max3A_363 = vector.broadcast %max3A : f32 to vector<16xf32>
        %max3A_364 = arith.maximumf %select_n3A_362, %max3A_363 : vector<16xf32>
        %sub3A_365 = arith.constant 1.000000e+00 : f32
        %sub3A_366 = vector.broadcast %sub3A_365 : f32 to vector<16xf32>
        %sub3A_367 = arith.subf %sub3A_366, %gather3A_292 : vector<16xf32>
        %bitcast3A_368 = vector.bitcast %sub3A_367 : vector<16xf32> to vector<16xi32>
        %shift_right_arithmetic3A_369 = arith.constant 23 : i32
        %shift_right_arithmetic3A_370 = vector.broadcast %shift_right_arithmetic3A_369 : i32 to vector<16xi32>
        %shift_right_arithmetic3A_371 = arith.shrsi %bitcast3A_368, %shift_right_arithmetic3A_370 : vector<16xi32>
        %sub3A_372 = arith.constant 127 : i32
        %sub3A_373 = vector.broadcast %sub3A_372 : i32 to vector<16xi32>
        %sub3A_374 = arith.subi %shift_right_arithmetic3A_371, %sub3A_373 : vector<16xi32>
        %convert_element_type3A_375 = arith.sitofp %sub3A_374 : vector<16xi32> to vector<16xf32>
        %and3A_376 = arith.constant 8388607 : i32
        %and3A_377 = vector.broadcast %and3A_376 : i32 to vector<16xi32>
        %and3A_378 = arith.andi %bitcast3A_368, %and3A_377 : vector<16xi32>
        %or3A_379 = arith.constant 1065353216 : i32
        %or3A_380 = vector.broadcast %or3A_379 : i32 to vector<16xi32>
        %or3A_381 = arith.ori %and3A_378, %or3A_380 : vector<16xi32>
        %bitcast3A_382 = vector.bitcast %or3A_381 : vector<16xi32> to vector<16xf32>
        %sub3A_383 = arith.constant 1.000000e+00 : f32
        %sub3A_384 = vector.broadcast %sub3A_383 : f32 to vector<16xf32>
        %sub3A_385 = arith.subf %bitcast3A_382, %sub3A_384 : vector<16xf32>
        %add3A_386 = arith.constant 1.000000e+00 : f32
        %add3A_387 = vector.broadcast %add3A_386 : f32 to vector<16xf32>
        %add3A_388 = arith.addf %bitcast3A_382, %add3A_387 : vector<16xf32>
        %div3A_389 = arith.divf %sub3A_385, %add3A_388 : vector<16xf32>
        %mul3A_390 = arith.mulf %div3A_389, %div3A_389 : vector<16xf32>
        %mul3A_391 = arith.constant 0.222222224 : f32
        %mul3A_392 = vector.broadcast %mul3A_391 : f32 to vector<16xf32>
        %mul3A_393 = arith.mulf %mul3A_390, %mul3A_392 : vector<16xf32>
        %add3A_394 = arith.constant 0.285714298 : f32
        %add3A_395 = vector.broadcast %add3A_394 : f32 to vector<16xf32>
        %add3A_396 = arith.addf %add3A_395, %mul3A_393 : vector<16xf32>
        %mul3A_397 = arith.mulf %mul3A_390, %add3A_396 : vector<16xf32>
        %add3A_398 = arith.constant 4.000000e-01 : f32
        %add3A_399 = vector.broadcast %add3A_398 : f32 to vector<16xf32>
        %add3A_400 = arith.addf %add3A_399, %mul3A_397 : vector<16xf32>
        %mul3A_401 = arith.mulf %mul3A_390, %add3A_400 : vector<16xf32>
        %add3A_402 = arith.constant 0.666666627 : f32
        %add3A_403 = vector.broadcast %add3A_402 : f32 to vector<16xf32>
        %add3A_404 = arith.addf %add3A_403, %mul3A_401 : vector<16xf32>
        %mul3A_405 = arith.mulf %mul3A_390, %add3A_404 : vector<16xf32>
        %add3A_406 = arith.constant 2.000000e+00 : f32
        %add3A_407 = vector.broadcast %add3A_406 : f32 to vector<16xf32>
        %add3A_408 = arith.addf %add3A_407, %mul3A_405 : vector<16xf32>
        %mul3A_409 = arith.constant 0.693147182 : f32
        %mul3A_410 = vector.broadcast %mul3A_409 : f32 to vector<16xf32>
        %mul3A_411 = arith.mulf %convert_element_type3A_375, %mul3A_410 : vector<16xf32>
        %mul3A_412 = arith.mulf %div3A_389, %add3A_408 : vector<16xf32>
        %add3A_413 = arith.addf %mul3A_411, %mul3A_412 : vector<16xf32>
        %lt3A_414 = arith.constant 9.99999991E-38 : f32
        %lt3A_415 = vector.broadcast %lt3A_414 : f32 to vector<16xf32>
        %lt3A_416 = arith.cmpf olt, %sub3A_367, %lt3A_415 : vector<16xf32>
        %jit3A_417 = arith.constant -1.000000e+04 : f32
        %broadcast_in_dim3A_418 = vector.broadcast %jit3A_417 : f32 to vector<16xf32>
        %select_n3A_419 = arith.select %lt3A_416, %broadcast_in_dim3A_418, %add3A_413 : vector<16xi1>, vector<16xf32>
        %max3A_420 = arith.constant -1.000000e+02 : f32
        %max3A_421 = vector.broadcast %max3A_420 : f32 to vector<16xf32>
        %max3A_422 = arith.maximumf %select_n3A_419, %max3A_421 : vector<16xf32>
        %mul3A_423 = arith.mulf %get3A_311, %max3A_364 : vector<16xf32>
        %sub3A_424 = arith.constant 1.000000e+00 : f32
        %sub3A_425 = vector.broadcast %sub3A_424 : f32 to vector<16xf32>
        %sub3A_426 = arith.subf %sub3A_425, %get3A_311 : vector<16xf32>
        %mul3A_427 = arith.mulf %sub3A_426, %max3A_422 : vector<16xf32>
        %add3A_428 = arith.addf %mul3A_423, %mul3A_427 : vector<16xf32>
        %neg3A = arith.constant 0.000000e+00 : f32
        %neg3A_429 = vector.broadcast %neg3A : f32 to vector<16xf32>
        %neg3A_430 = arith.subf %neg3A_429, %add3A_428 : vector<16xf32>
        %reduce_sum3A_431 = arith.constant true
        %reduce_sum3A_432 = vector.broadcast %reduce_sum3A_431 : i1 to vector<16xi1>
        %reduce_sum3A_433 = tpu.scan <sum>, %neg3A_430 masked %reduce_sum3A_432 : vector<16xf32>, vector<16xi1> -> vector<16xf32>
        %reduce_sum3A_434 = vector.extract %reduce_sum3A_433[15] : f32 from vector<16xf32>
        %mul3A_435 = arith.constant 6.250000e-02 : f32
        %mul3A_436 = arith.mulf %reduce_sum3A_434, %mul3A_435 : f32
        %eq3A_437 = arith.constant 0 : i32
        %eq3A_438 = vector.broadcast %eq3A_437 : i32 to vector<16xi32>
        %eq3A_439 = arith.cmpi eq, %iota3A, %eq3A_438 : vector<16xi32>
        %mul3A_440 = arith.constant 9.99999974E-5 : f32
        %mul3A_441 = arith.mulf %mul3A_440, %mul3A_310 : f32
        %eq3A_442 = arith.constant 1 : i32
        %eq3A_443 = vector.broadcast %eq3A_442 : i32 to vector<16xi32>
        %eq3A_444 = arith.cmpi eq, %iota3A, %eq3A_443 : vector<16xi32>
        %jit3A_445 = arith.constant 0.000000e+00 : f32
        %broadcast_in_dim3A_446 = vector.broadcast %mul3A_436 : f32 to vector<16xf32>
        %broadcast_in_dim3A_447 = vector.broadcast %jit3A_445 : f32 to vector<16xf32>
        %select_n3A_448 = arith.select %eq3A_444, %broadcast_in_dim3A_446, %broadcast_in_dim3A_447 : vector<16xi1>, vector<16xf32>
        %broadcast_in_dim3A_449 = vector.broadcast %mul3A_441 : f32 to vector<16xf32>
        %select_n3A_450 = arith.select %eq3A_439, %broadcast_in_dim3A_449, %select_n3A_448 : vector<16xi1>, vector<16xf32>
        %swap3A_451 = arith.constant 0 : index
        %swap3A_452 = tpu.vector_load %arg14[%swap3A_451] {strides = array<i32>} : memref<16xf32, #tpu.memory_space<vmem>>, vector<16xf32>,
        tpu.vector_store %arg14[%swap3A_451], %select_n3A_450 {strides = array<i32>} : memref<16xf32, #tpu.memory_space<vmem>>, vector<16xf32>,
        "tpu.region"() ({
          %run_scoped3A = tpu.sem_alloc : memref<!tpu.dma_semaphore, #tpu.memory_space<semaphore_mem>>
          tpu.enqueue_dma source(%arg14 : memref<16xf32, #tpu.memory_space<vmem>>) target(%arg9 : memref<16xf32, #tpu.memory_space<hbm>>) target_semaphore(%run_scoped3A : memref<!tpu.dma_semaphore, #tpu.memory_space<semaphore_mem>>)
          tpu.wait_dma2 semaphore(%run_scoped3A : memref<!tpu.dma_semaphore, #tpu.memory_space<semaphore_mem>>) src(%arg14 : memref<16xf32, #tpu.memory_space<vmem>>) dst(%arg9 : memref<16xf32, #tpu.memory_space<hbm>>)
          tpu.yield
        }) : () -> ()
      } else {
      }
    } else {
    }
    return
  }
}

</mosaic_0001>

<sc_bundles>
// kernel: kernel.3.cloned.1.call-start
scs
__scs_entry_jumppad:
0x0: {  	(pc) =	sbr.rel $0x88, $3  }
0x1: {  	(tag) =	ssettag $0x0;
	lr =	simm.s32 $0x1  }
0x2: {  	[smem:$0x3F9A] =	sst lr;
	_ =	strace $0xD0000000  }
0x3: {  	_ = 	snop  }
0x4: {  	_ = 	snop  }
0x5: {  	_ = 	snop  }
0x6: {  	_ = 	snop  }
0x7: {  	_ = 	snop  }
__scs_overlays_trampoline_lowered:
0x8: {  	[smem:$0x3FA9] =	sst s0  }
0x9: {  	[smem:$0x3FAA] =	sst s1  }
0xa: {  	[smem:$0x3FAB] =	sst s2  }
0xb: {  	[smem:$0x3FAC] =	sst s3  }
0xc: {  	[smem:$0x3FAD] =	sst s4  }
0xd: {  	[smem:$0x3FAE] =	sst s5  }
0xe: {  	[smem:$0x3FAF] =	sst s6  }
0xf: {  	[smem:$0x3FB0] =	sst s7  }
0x10: {  	[smem:$0x3FB1] =	sst s8  }
0x11: {  	[smem:$0x3FB2] =	sst s9;
	s0 =	simm.s32 @!p0 $0x0  }
0x12: {  	s1 =	sld [smem:$0x3F98];
	s0 =	simm.s32 @p0 $0x1  }
0x13: {  	[smem:$0x3FB3] =	sst s0;
	s0 =	simm.s32 @!p1 $0x0  }
0x14: {  	s2 =	sld [smem:$0x3F97];
	s0 =	simm.s32 @p1 $0x1  }
0x15: {  	[smem:$0x3FB4] =	sst s0;
	s0 =	simm.s32 @!p2 $0x0  }
0x16: {  	s3 =	sld [smem:$0x3FDB];
	s0 =	simm.s32 @p2 $0x1  }
0x17: {  	s4 =	simm.s32 $0x1BF5;
	[smem:$0x3FB6] =	sst s0  }
0x18: {  	s0 =	sld [smem:$0x3F99];
	_ =	swait.ge [sflag:s4], $0x0  }
0x19: {  	s7 =	sld [smem:$0x3F9A]  }
0x1a: {  	s8 =	sadd.s32 $0xFFFFE003, lr  }
0x1b: {  	s9 =	sadd.s32 $0xFFFFFEF7, lr;
	s5 =	simm.s32 $0xFFFFFFFF;
	p2 =	slt.u32 s8, $0xFFFFF086  }
0x1c: {  	p1 =	slt.u32 s9, $0xF7A;
	s5 =	simm.s32 @!p2 $0x0  }
0x1d: {  	s5 =	simm.s32 @p1 $0x1;
	p0 =	seq.s32 s7, s2  }
0x1e: {  	s7 =	smul.u32 @!p0 $0xF7A, s2;
	p2 =	seq.s32 @!p0 s5, $0x0  }
0x1f: {  	s9 =	smul.u32 $0xF7A, s1;
	s8 =	simm.s32 @!p0 $0x1BF5;
	p2 =	por !p2, p0  }
0x20: {  	[sflag:s8] =	ssyncset.s32 @!p0 $0xFFFFF086;
	s6 =	sadd.s32 @!p0 s3, s7;
	s7 =	simm.s32 @!p0 $0x108  }
0x21: {  	s3 =	sadd.s32 s3, s9;
	s6 =	sadd.s32 @!p0 $0x88, s6;
	s7 =	simm.s32 @p2 $0x1082  }
0x22: {  	[simem:s7], [sflag:s8] =	dma.local @!p0 [hbm:s6], $0xF7A  }
0x23: {  	s9 =	sor.u32 $0xD0000000, s2;
	s6 =	simm.s32 $0x108;
	_ =	swait.ge @!p0 [sflag:s8], $0x0  }
0x24: {  	s3 =	sadd.s32 $0x88, s3;
	s6 =	simm.s32 @!p1 $0x1082;
	[sflag:s4] =	ssyncset.s32 $0xFFFFF086  }
0x25: {  	[simem:s6], [sflag:s4] =	dma.local [hbm:s3], $0xF7A  }
0x26: {  	[smem:$0x3F9A] =	sst s1;
	(tag) =	ssettag s2;
	_ =	strace s9  }
0x27: {  	s1 =	sld [smem:$0x3FAA]  }
0x28: {  	s2 =	sld [smem:$0x3FAB]  }
0x29: {  	s4 =	sld [smem:$0x3FAD]  }
0x2a: {  	p0 =	seq.s32 s5, $0x0;
	s5 =	sld [smem:$0x3FAE]  }
0x2b: {  	s6 =	sld [smem:$0x3FAF]  }
0x2c: {  	s7 =	sld [smem:$0x3FB0]  }
0x2d: {  	s3 =	simm.s32 $0x108;
	s8 =	sld [smem:$0x3FB1]  }
0x2e: {  	s3 =	simm.s32 @!p0 $0x1082;
	s9 =	sld [smem:$0x3FB2]  }
0x2f: {  	lr =	sadd.s32 s0, s3;
	s0 =	sld [smem:$0x3FA9]  }
0x30: {  	s3 =	sld [smem:$0x3FAC]  }
0x31: {  	[smem:$0x3FB5] =	sst s10  }
0x32: {  	s10 =	sld [smem:$0x3FB3];
	_ =	sdelay $0x3  }
0x33: {  	p0 =	seq.s32 s10, $0x1;
	s10 =	sld [smem:$0x3FB5];
	_ =	sdelay $0x3  }
0x34: {  	[smem:$0x3FB5] =	sst s10  }
0x35: {  	s10 =	sld [smem:$0x3FB4];
	_ =	sdelay $0x3  }
0x36: {  	p1 =	seq.s32 s10, $0x1;
	s10 =	sld [smem:$0x3FB5];
	_ =	sdelay $0x3  }
0x37: {  	[smem:$0x3FB5] =	sst s10  }
0x38: {  	s10 =	sld [smem:$0x3FB6]  }
0x39: {  	_ = 	snop;
	(pc) =	sbr.ind lr, $3  }
0x3a: {  	_ = 	snop  }
0x3b: {  	_ = 	snop  }
0x3c: {  	p2 =	seq.s32 s10, $0x1;
	s10 =	sld [smem:$0x3FB5]  }
0x3d: {  	_ =	shalt  }
0x3e: {  	_ =	shalt  }
0x3f: {  	_ =	shalt  }
0x40: {  	_ =	shalt  }
0x41: {  	_ =	shalt  }
0x42: {  	_ =	shalt  }
0x43: {  	_ =	shalt  }
0x44: {  	_ =	shalt  }
0x45: {  	_ =	shalt  }
0x46: {  	_ =	shalt  }
0x47: {  	_ =	shalt  }
0x48: {  	_ =	shalt  }
0x49: {  	_ =	shalt  }
0x4a: {  	_ =	shalt  }
0x4b: {  	_ =	shalt  }
0x4c: {  	_ =	shalt  }
0x4d: {  	_ =	shalt  }
0x4e: {  	_ =	shalt  }
0x4f: {  	_ =	shalt  }
0x50: {  	_ =	shalt  }
0x51: {  	_ =	shalt  }
0x52: {  	_ =	shalt  }
0x53: {  	_ =	shalt  }
0x54: {  	_ =	shalt  }
0x55: {  	_ =	shalt  }
0x56: {  	_ =	shalt  }
0x57: {  	_ =	shalt  }
0x58: {  	_ =	shalt  }
0x59: {  	_ =	shalt  }
0x5a: {  	_ =	shalt  }
0x5b: {  	_ =	shalt  }
0x5c: {  	_ =	shalt  }
0x5d: {  	_ =	shalt  }
0x5e: {  	_ =	shalt  }
0x5f: {  	_ =	shalt  }
0x60: {  	_ =	shalt  }
0x61: {  	_ =	shalt  }
0x62: {  	_ =	shalt  }
0x63: {  	_ =	shalt  }
0x64: {  	_ =	shalt  }
0x65: {  	_ =	shalt  }
0x66: {  	_ =	shalt  }
0x67: {  	_ =	shalt  }
0x68: {  	_ =	shalt  }
0x69: {  	_ =	shalt  }
0x6a: {  	_ =	shalt  }
0x6b: {  	_ =	shalt  }
0x6c: {  	_ =	shalt  }
0x6d: {  	_ =	shalt  }
0x6e: {  	_ =	shalt  }
0x6f: {  	_ =	shalt  }
0x70: {  	_ =	shalt  }
0x71: {  	_ =	shalt  }
0x72: {  	_ =	shalt  }
0x73: {  	_ =	shalt  }
0x74: {  	_ =	shalt  }
0x75: {  	_ =	shalt  }
0x76: {  	_ =	shalt  }
0x77: {  	_ =	shalt  }
0x78: {  	_ =	shalt  }
0x79: {  	_ =	shalt  }
0x7a: {  	_ =	shalt  }
0x7b: {  	_ =	shalt  }
0x7c: {  	_ =	shalt  }
0x7d: {  	_ =	shalt  }
0x7e: {  	_ =	shalt  }
0x7f: {  	_ =	shalt  }
0x80: {  	_ =	shalt  }
0x81: {  	_ =	shalt  }
0x82: {  	_ =	shalt  }
0x83: {  	_ =	shalt  }
0x84: {  	_ =	shalt  }
0x85: {  	_ =	shalt  }
0x86: {  	_ =	shalt  }
0x87: {  	_ =	shalt  }
.Lfunc_end0:
.L_simem_size_0:
called_computation_lowered:
.L_overlay_start_0:
0x88: {  	s2 =	sld [smem:$0x3FD9]  }
0x89: {  	s3 =	sld [smem:$0x3FFE];
	_ =	sdelay $0x1  }
0x8a: {  	s1 =	srdreg.scid  }
0x8b: {  	s0 =	sand.u32 $0x1, s1  }
0x8c: {  	s17 =	sshll.u32 s0, $0xA;
	s2 =	sadd.s32 s3, s2  }
0x8d: {  	s2 =	sadd.s32 s2, s17  }
0x8e: {  	[smem:$0x3FC1] =	sst s2  }
0x8f: {  	_ = 	snop  }
0x90: {  	s2 =	sld [smem:$0x3FC9]  }
0x91: {  	s18 =	sld [smem:$0x3FC8]  }
0x92: {  	s4 =	sld [smem:$0x3FC7]  }
0x93: {  	s5 =	sld [smem:$0x3FC6]  }
0x94: {  	s6 =	sld [smem:$0x3FC5]  }
0x95: {  	s7 =	sld [smem:$0x3FC4]  }
0x96: {  	s8 =	sld [smem:$0x3FC3];
	(tm) =	ssettm $0x1  }
0x97: {  	s9 =	sld [smem:$0x3FFB];
	_ =	sdelay $0x3  }
0x98: {  	_ =	strace s9  }
0x99: {  	s9 =	sld [smem:$0x3FFC];
	_ =	sdelay $0x3  }
0x9a: {  	_ =	strace s9  }
0x9b: {  	s9 =	sld [smem:$0x3FFD];
	_ =	sdelay $0x3  }
0x9c: {  	_ =	strace s9  }
0x9d: {  	_ =	strace $0x8FFFFFFF  }
0x9e: {  	s19 =	sld [smem:$0x3FDB];
	_ =	sdelay $0x1  }
0x9f: {  	s10 =	simm.s32 $_scs_section_size  }
0xa0: {  	s11 =	simm.s32 $_size__tile_overlayer_lowered;
	s12 =	simm.s32 $_tile_overlayer_lowered  }
0xa1: {  	s22 =	simm.s32 $0x1BFF;
	s21 =	sshll.u32 s12, $0x1;
	s9 =	sadd.s32 s10, s19  }
0xa2: {  	s13 =	simm.s32 $0x0;
	s20 =	sshll.u32 s11, $0x1;
	s11 =	sadd.s32 s21, s9  }
0xa3: {  	[timem:s13], [sflag:s22] =	dma.local [hbm:s11], s20  }
0xa4: {  	_ =	swait.ge [sflag:s22], s20  }
0xa5: {  	s10 =	ssub.s32 $0x0, s20;
	[sflag:s22] =	ssyncset.done $0x0  }
0xa6: {  	[sflag:s22] =	ssyncadd.s32 s10;
	_ =	sdelay $0x1  }
0xa7: {  	s23 =	simm.s32 $0x1B8B  }
0xa8: {  	_ =	swait.ge [sflag:s23], $0x1  }
0xa9: {  	[sflag:s23] =	ssyncset.done $0x0  }
0xaa: {  	s25 =	simm.s32 $0x1B8E;
	s24 =	sld [smem:$0x3FFE];
	[sflag:s23] =	ssyncadd.s32 $0xFFFFFFFF  }
0xab: {  	s26 =	simm.s32 $execute0_lowered;
	[smem:$0x3FD2] =	sst s25  }
0xac: {  	s11 =	sshll.u32 s26, $0x1;
	_ =	strace $0x80000046;
	[dreg:$0x1] =	wrdreg $0xFFFFFFFF  }
0xad: {  	s28 =	simm.s32 $_size_execute0_lowered;
	s9 =	sadd.s32 s9, s11;
	[dreg:$0x0] =	wrdreg $0x0  }
0xae: {  	s11 =	sshll.u32 s28, $0x1;
	[dreg:$0x2] =	wrdreg s9  }
0xaf: {  	[dreg:$0x3] =	wrdreg s11  }
0xb0: {  	[dreg:$0x4] =	wrdreg $0xC0  }
0xb1: {  	_ =	task [dreg:s13], $0x5FFFF  }
0xb2: {  	[dreg:$0x1] =	wrdreg $0xFFFFFFFF  }
0xb3: {  	[dreg:$0x0] =	wrdreg $0x60  }
0xb4: {  	[dreg:$0x2] =	wrdreg s2  }
0xb5: {  	[dreg:$0x3] =	wrdreg s18  }
0xb6: {  	[dreg:$0x4] =	wrdreg s6  }
0xb7: {  	[dreg:$0x5] =	wrdreg s7  }
0xb8: {  	[dreg:$0x6] =	wrdreg s4  }
0xb9: {  	[dreg:$0x7] =	wrdreg s5  }
0xba: {  	[dreg:$0x8] =	wrdreg s8  }
0xbb: {  	[dreg:$0x9] =	wrdreg s24  }
0xbc: {  	[dreg:$0xa] =	wrdreg $0x9  }
0xbd: {  	_ =	task.clear_ibuf [dreg:s13], $0xBFFFF;
	_ =	strace $0x90000046  }
0xbe: {  	s29 =	simm.s32 $0x9;
	_ =	strace $0x80000048  }
0xbf: {  	_ =	swait.ge [sflag:s29], $0x1  }
0xc0: {  	[sflag:s29] =	ssyncadd.s32 $0xFFFFFFFF  }
0xc1: {  	_ =	strace $0x90000048  }
0xc2: {  	_ =	sfence  }
0xc3: {  	s30 =	sld [smem:$0x0];
	_ =	sdelay $0x2  }
0xc4: {  	s31 =	sshll.u32 s1, $0xD;
	s1 =	sshrl.u32 s1, $0x2  }
0xc5: {  	s3 =	sand.u32 $0x4000, s31;
	s1 =	sadd.s32 s1, s30  }
0xc6: {  	s0 =	sor.u32 s3, s0;
	s1 =	sshll.u32 s1, $0x11  }
0xc7: {  	s0 =	sor.u32 s1, s0  }
0xc8: {  	s0 =	sadd.s32 $0x8F2B, s0  }
0xc9: {  	[sflag:s0] =	ssyncadd.remote.s32 $0x1  }
0xca: {  	_ =	sfence.sel $0xFFFF  }
0xcb: {  	[dreg:$0x0] =	wrdreg $0xFFFFFFFF;
	(pc) =	sbr.abs _section_cstart, $3  }
0xcc: {  	[dreg:$0x1] =	wrdreg $0xFFFFFFFF  }
0xcd: {  	_ =	task.clear_ibuf [dreg:s13], $0x2FFFF;
	_ =	strace $0x9FFFFFFF  }
0xce: {  	(tm) =	ssettm $0x7FFFFFFF  }
0xcf: {  	_ =	shalt  }
tec
execute0_lowered:
.L_overlay_start_1:
0x0: {  	(tag) =	ssettag $0x1  }
0x1: {  	s5 =	rddreg [dreg:$0x0]  }
0x2: {  	s8 =	rddreg [dreg:$0x1]  }
0x3: {  	s9 =	rddreg [dreg:$0x2];
	s1 =	srdreg.scid  }
0x4: {  	s10 =	rddreg [dreg:$0x3];
	s1 =	sand.u32 $0x1, s1  }
0x5: {  	s6 =	rddreg [dreg:$0x4];
	p0 =	seq.s32 s1, $0x1  }
.Ltmp0:
0x6: {  	s7 =	rddreg [dreg:$0x5];
	(pc) =	sbr.rel @p0 .LBB2_7-.Ltmp0, $4  }
0x7: {  	s3 =	rddreg [dreg:$0x6]  }
0x8: {  	s4 =	rddreg [dreg:$0x7];
	s2 =	simm.s32 $0x0  }
0x9: {  	[smem:$0x7FF] =	sst s2  }
0xa: {  	s0 =	rddreg [dreg:$0x8];
	_ =	strace $0x80000047;
	s1 =	stileid.u32  }
0xb: {  	s11 =	sshll.u32 s1, $0x4  }
0xc: {  	p0 =	sgt.u32 s1, $0x7;
	s25 =	simm.s32 $0x80;
	s12 =	sand.u32 $0x70, s11  }
0xd: {  	s26 =	simm.s32 $0x400;
	s5 =	sadd.s32 s5, s11;
	s8 =	sadd.s32 s8, s12  }
0xe: {  	s9 =	sadd.s32 s9, s11;
	s10 =	sadd.s32 s10, s12;
	s5 =	smov.u32 @p0 s8  }
0xf: {  	[tilespmem:s2], [sflag:$0x1] =	stream.strided.gather [hbm4b:s5+s25], $0x800, s26, s25, $0x38;
	[tilespmem:$0x9A00] =	vst v63  }
0x10: {  	s28 =	simm.s32 $0x800;
	s29 =	simm.s32 $0x1;
	s9 =	smov.u32 @p0 s10  }
0x11: {  	[tilespmem:s28], [sflag:$0x2] =	stream.strided.gather [hbm4b:s9+s25], $0x800, s26, s25, $0x38;
	[tilespmem:$0x9A00] =	vst v63  }
0x12: {  	_ =	swait.ge [sflag:s29], $0x800  }
0x13: {  	[sflag:s29] =	ssyncset.done $0x0  }
0x14: {  	s30 =	simm.s32 $0x10;
	[sflag:s29] =	ssyncadd.s32 $0xFFFFF800  }
0x15: {  	v3 =	vld [tilespmem:s30+$0x0]  }
0x16: {  	v10 =	vld [tilespmem:s30+$0xFFFFFFF0]  }
0x17: {  	v1 =	vimm.f32 $-Inf;
	v11 =	vlaneseq.u32;
	v2 =	vimm.s32 $0x0  }
0x18: {  	v13 =	vimm.s32 $0x0;
	v19 =	vimm.f32 $-Inf;
	v20 =	vimm.s32 $0x0;
	s8 =	sshll.u32 s1, $0xB  }
0x19: {  	s31 =	simm.s32 $0x10;
	v14 =	vimm.s32 $0x0;
	v9 =	vimm.f32 $-Inf;
	v21 =	vimm.s32 $0x0;
	s5 =	sadd.s32 $0xFFFFC000, s8  }
0x1a: {  	v16 =	vimm.f32 $-Inf;
	v12 =	vor.u32 s31, v11;
	v17 =	vor.u32 s2, v11;
	s8 =	smov.u32 @p0 s5  }
0x1b: {  	v0 =	vmov s8;
	vm2 =	vgt.f32 v3, v1;
	vm4 =	vgt.f32 v10, v1  }
0x1c: {  	v5 =	vsel vm2, v1, v3;
	v7 =	vsel vm2, v3, v1;
	v8 =	vsel vm4, v1, v10  }
0x1d: {  	v4 =	vsel vm4, v2, v17;
	v18 =	vsel vm2, v2, v12;
	vm1 =	vgt.f32 v5, v1  }
0x1e: {  	s2 =	sadd.s32 $0xC00, s4;
	s4 =	sadd.s32 $0xA00, s4;
	v3 =	vimm.s32 $0x0;
	vm0 =	vgt.f32 v8, v1;
	v15 =	vsel vm1, v1, v5  }
0x1f: {  	s5 =	sadd.s32 s4, s11;
	s8 =	simm.s32 $0x20;
	s9 =	simm.s32 $0x30;
	v6 =	vsel vm1, v5, v1;
	v5 =	vsel vm0, v1, v8;
	vm3 =	vgt.f32 v15, v1  }
.LBB2_2:
0x20: {  	v22 =	vld [tilespmem:s9+$0x0];
	p1 =	sne.s32 s8, $0x7E0;
	v23 =	vsel vm0, v2, v4;
	vm5 =	vgt.f32 v5, v1;
	v24 =	vsel vm1, v13, v18;
	s10 =	smov.u32 s8;
	s8 =	sadd.s32 $0x20, s8  }
0x21: {  	v19 =	vsel vm4, v10, v19;
	v10 =	vld [tilespmem:s9+$0xFFFFFFF0];
	v1 =	vsel vm5, v5, v1;
	v3 =	vsel vm5, v23, v3  }
0x22: {  	v20 =	vsel vm4, v17, v20;
	v2 =	vsel vm0, v4, v2;
	v14 =	vsel vm3, v24, v14  }
0x23: {  	v9 =	vsel vm0, v8, v9;
	v21 =	vsel vm2, v12, v21;
	s11 =	sadd.s32 $0x10, s10  }
0x24: {  	v16 =	vsel vm3, v15, v16;
	v12 =	vor.u32 s11, v11  }
.Ltmp1:
0x25: {  	v13 =	vsel vm1, v18, v13;
	v17 =	vor.u32 s10, v11;
	vm2 =	vgt.f32 v22, v7;
	(pc) =	sbr.rel @p1 .LBB2_2-.Ltmp1, $4  }
0x26: {  	vm4 =	vgt.f32 v10, v19;
	v5 =	vsel vm2, v7, v22;
	v7 =	vsel vm2, v22, v7  }
0x27: {  	v8 =	vsel vm4, v19, v10;
	v4 =	vsel vm4, v20, v17;
	vm1 =	vgt.f32 v5, v6  }
0x28: {  	vm0 =	vgt.f32 v8, v9;
	v15 =	vsel vm1, v6, v5;
	v6 =	vsel vm1, v5, v6  }
0x29: {  	s9 =	sadd.s32 $0x20, s9;
	v18 =	vsel vm2, v21, v12;
	v5 =	vsel vm0, v9, v8;
	vm3 =	vgt.f32 v15, v16  }
0x2a: {  	v10 =	vsel vm4, v10, v19;
	v11 =	vsel vm4, v17, v20;
	v12 =	vsel vm2, v12, v21  }
0x2b: {  	vm2 =	veq.f32 v7, v10;
	vm4 =	vlt.s32 v12, v11  }
0x2c: {  	vm5 =	vgt.f32 v7, v10;
	vm2 =	vmand vm2, vm4  }
0x2d: {  	vm2 =	vmor vm5, vm2  }
0x2e: {  	v48 =	vsel vm1, v18, v13;
	v19 =	vsel vm2, v7, v10;
	v20 =	vsel vm2, v12, v11  }
0x2f: {  	vm14 =	veq.f32 v6, v19;
	vm15 =	vlt.s32 v48, v20  }
0x30: {  	v49 =	vsel vm1, v13, v18;
	vm1 =	vgt.f32 v6, v19;
	vm4 =	vmand vm14, vm15  }
0x31: {  	v50 =	vsel vm3, v15, v16;
	vm4 =	vmor vm1, vm4  }
0x32: {  	v13 =	vsel vm3, v49, v14;
	v51 =	vsel vm4, v6, v19;
	v52 =	vsel vm4, v48, v20  }
0x33: {  	vm1 =	veq.f32 v50, v51;
	vm3 =	vlt.s32 v13, v52  }
0x34: {  	vm8 =	vgt.f32 v50, v51;
	vm1 =	vmand vm1, vm3  }
0x35: {  	vm1 =	vmor vm8, vm1  }
0x36: {  	v53 =	vsel vm1, v50, v51  }
0x37: {  	(xrf0) =	vmax.scan.msk.f32 $0xffff, v53;
	_ =	sdelay $0x5  }
0x38: {  	v54, _, _ =	vpop (xrf0)  }
0x39: {  	v21 =	vbroadcast v54, $0xF  }
0x3a: {  	v22 =	vsel vm1, v13, v52  }
0x3b: {  	v55 =	vxor.u32 $0x80000000, v22;
	vm3 =	veq.f32 v53, v21  }
0x3c: {  	v21 =	vnsel vm3, $0x80000800, v55  }
0x3d: {  	(xrf0) =	vmin.scan.msk.u32 $0xffff, v21;
	_ =	sdelay $0x5  }
0x3e: {  	v21, _, _ =	vpop (xrf0)  }
0x3f: {  	(v2sf) =	vpush v21, $0xF;
	_ =	sdelay $0x3  }
0x40: {  	v56 =	vsel vm0, v4, v2  }
0x41: {  	v8 =	vsel vm0, v8, v9;
	v7 =	vsel vm2, v10, v7;
	v9 =	vsel vm2, v11, v12  }
0x42: {  	vm2 =	veq.f32 v7, v8;
	vm3 =	vlt.s32 v9, v56  }
0x43: {  	vm9 =	vgt.f32 v7, v8;
	vm2 =	vmand vm2, vm3  }
0x44: {  	v6 =	vsel vm4, v19, v6;
	vm2 =	vmor vm9, vm2  }
0x45: {  	v57 =	vsel vm4, v20, v48;
	v10 =	vsel vm2, v7, v8;
	v11 =	vsel vm2, v9, v56  }
0x46: {  	vm3 =	veq.f32 v6, v10;
	vm4 =	vlt.s32 v57, v11  }
0x47: {  	vm10 =	vgt.f32 v6, v10;
	vm3 =	vmand vm3, vm4  }
0x48: {  	v14 =	vsel vm1, v51, v50;
	vm3 =	vmor vm10, vm3  }
0x49: {  	v13 =	vsel vm1, v52, v13;
	v58 =	vsel vm3, v6, v10;
	v59 =	vsel vm3, v57, v11  }
0x4a: {  	vm1 =	veq.f32 v14, v58;
	vm11 =	vlt.s32 v13, v59  }
0x4b: {  	vm12 =	vgt.f32 v14, v58;
	vm1 =	vmand vm1, vm11;
	s8 =	spop (v2sf)  }
0x4c: {  	vm4 =	vmor vm12, vm1;
	s8 =	sxor.u32 $0x80000000, s8  }
0x4d: {  	v15 =	vsel vm4, v14, v58;
	vm1 =	veq.s32 v22, s8  }
0x4e: {  	v60 =	vsel vm1, v15, v53  }
0x4f: {  	(xrf0) =	vmax.scan.msk.f32 $0xffff, v60;
	_ =	sdelay $0x5  }
0x50: {  	v61, _, _ =	vpop (xrf0)  }
0x51: {  	v62 =	vsel vm4, v13, v59;
	v18 =	vbroadcast v61, $0xF  }
0x52: {  	v22 =	vsel vm1, v62, v22  }
0x53: {  	v63 =	vxor.u32 $0x80000000, v22;
	vm13 =	veq.f32 v60, v18  }
0x54: {  	v18 =	vnsel vm13, $0x80000800, v63  }
0x55: {  	(xrf0) =	vmin.scan.msk.u32 $0xffff, v18;
	_ =	sdelay $0x5  }
0x56: {  	v18, _, _ =	vpop (xrf0)  }
0x57: {  	vm14 =	vgt.f32 v5, v1;
	(v2sf) =	vpush v18, $0xF  }
0x58: {  	v2 =	vsel vm0, v2, v4;
	v1 =	vsel vm14, v5, v1  }
0x59: {  	v2 =	vsel vm14, v2, v3;
	v3 =	vsel vm2, v8, v7;
	v4 =	vsel vm2, v56, v9  }
0x5a: {  	vm0 =	veq.f32 v3, v1;
	vm2 =	vlt.s32 v4, v2  }
0x5b: {  	vm15 =	vgt.f32 v3, v1;
	vm0 =	vmand vm0, vm2  }
0x5c: {  	vm0 =	vmor vm15, vm0  }
0x5d: {  	v1 =	vsel vm0, v3, v1  }
0x5e: {  	v2 =	vsel vm0, v4, v2;
	v3 =	vsel vm3, v10, v6;
	v4 =	vsel vm3, v11, v57  }
0x5f: {  	vm0 =	veq.f32 v3, v1;
	vm2 =	vlt.s32 v4, v2  }
0x60: {  	vm3 =	vgt.f32 v3, v1;
	vm0 =	vmand vm0, vm2  }
0x61: {  	vm0 =	vmor vm3, vm0  }
0x62: {  	v1 =	vsel vm0, v3, v1  }
0x63: {  	v2 =	vsel vm0, v4, v2;
	v3 =	vsel vm4, v58, v14;
	v4 =	vsel vm4, v59, v13  }
0x64: {  	vm0 =	veq.f32 v3, v1;
	vm2 =	vlt.s32 v4, v2  }
0x65: {  	vm3 =	vgt.f32 v3, v1;
	vm0 =	vmand vm0, vm2  }
0x66: {  	vm0 =	vmor vm3, vm0;
	s9 =	spop (v2sf)  }
0x67: {  	v1 =	vsel vm0, v3, v1;
	s9 =	sxor.u32 $0x80000000, s9  }
0x68: {  	v1 =	vsel vm1, v1, v15;
	vm2 =	veq.s32 v22, s9  }
0x69: {  	v1 =	vsel vm2, v1, v60  }
0x6a: {  	(xrf0) =	vmax.scan.msk.f32 $0xffff, v1;
	_ =	sdelay $0x5  }
0x6b: {  	v2 =	vsel vm0, v4, v2;
	v3, _, _ =	vpop (xrf0)  }
0x6c: {  	v2 =	vsel vm1, v2, v62;
	v3 =	vbroadcast v3, $0xF  }
0x6d: {  	v2 =	vsel vm2, v2, v22  }
0x6e: {  	vm0 =	veq.f32 v1, v3;
	v1 =	vxor.u32 $0x80000000, v2  }
0x6f: {  	v1 =	vnsel vm0, $0x80000800, v1  }
0x70: {  	(xrf0) =	vmin.scan.msk.u32 $0xffff, v1;
	_ =	sdelay $0x5  }
0x71: {  	v1, _, _ =	vpop (xrf0)  }
0x72: {  	(v2sf) =	vpush v1, $0xF;
	_ =	sdelay $0xe  }
0x73: {  	v1 =	vlaneseq.u32;
	s10 =	spop (v2sf)  }
0x74: {  	v2 =	vmov s8;
	vm0 =	veq.s32 v1, $0x2;
	s18 =	sxor.u32 $0x80000000, s10  }
0x75: {  	v2 =	vsel vm0, s18, v2;
	vm0 =	vcmask $0x704  }
0x76: {  	v2 =	vsel vm0, s9, v2  }
0x77: {  	v0 =	vadd.s32 v0, v2  }
0x78: {  	v0 =	vshll.u32 v0, $0x4  }
0x79: {  	v3 =	vand.u32 $0x7, v2;
	v0 =	vand.u32 $0xFFFFFF80, v0  }
0x7a: {  	v4 =	vshrl.u32 v1, $0x3;
	v0 =	vor.u32 v3, v0;
	v3 =	vand.u32 $0x7, v1  }
0x7b: {  	s19 =	simm.s32 $0x2;
	v4 =	vmul.u32 $0x8, v4;
	v3 =	vperm.xlane v0, v3  }
0x7c: {  	_ =	swait.ge [sflag:s19], $0x800  }
0x7d: {  	[sflag:s19] =	ssyncset.done $0x0;
	v3 =	vadd.s32 v4, v3  }
0x7e: {  	s20 =	simm.s32 $0x800;
	[sflag:s19] =	ssyncadd.s32 $0xFFFFF800  }
0x7f: {  	v2 =	vld.idx.msk [tilespmem:v2+s20+$0x0], $0xffff;
	_ =	sdelay $0x1  }
0x80: {  	s6 =	smov.u32 @p0 s7;
	s7 =	simm.s32 $0x0;
	s21 =	simm.s32 $0x1000;
	vm1 =	vmmov $0xffff  }
0x81: {  	[tilespmem:s21], [sflag:$0x1] =	stream.indirect_vreg.gather [hbm4b:s6+s7], $0x80, v3, vm1, $0xb8;
	[tilespmem:$0x9A00] =	vst v63  }
0x82: {  	s23 =	simm.s32 $0x1800;
	s22 =	sadd.s32 $0x100, s6;
	vm2 =	vmmov $0x7  }
0x83: {  	v2 =	vnsel vm2, $0x0, v2;
	[tilespmem:s23], [sflag:$0x1] =	stream.indirect_vreg.gather [hbm4b:s22+s7], $0x80, v3, vm1, $0xb8;
	[tilespmem:$0x9A00] =	vst v63  }
0x84: {  	s25 =	simm.s32 $0x2000;
	s24 =	sadd.s32 $0x200, s6;
	(xrf2) =	vadd.scan.msk.f32 $0xffff, v2  }
0x85: {  	[tilespmem:s25], [sflag:$0x1] =	stream.indirect_vreg.gather [hbm4b:s24+s7], $0x80, v3, vm1, $0xb8;
	[tilespmem:$0x9A00] =	vst v63  }
0x86: {  	s11 =	simm.s32 $0x2800;
	s26 =	sadd.s32 $0x300, s6  }
0x87: {  	[tilespmem:s11], [sflag:$0x1] =	stream.indirect_vreg.gather [hbm4b:s26+s7], $0x80, v3, vm1, $0xb8;
	[tilespmem:$0x9A00] =	vst v63  }
0x88: {  	s12 =	simm.s32 $0x3000;
	s28 =	sadd.s32 $0x400, s6  }
0x89: {  	v1 =	vor.u32 $0x8, v1;
	[tilespmem:s12], [sflag:$0x1] =	stream.indirect_vreg.gather [hbm4b:s28+s7], $0x80, v3, vm1, $0xb8;
	[tilespmem:$0x9A00] =	vst v63  }
0x8a: {  	s13 =	simm.s32 $0x3800;
	s29 =	sadd.s32 $0x500, s6;
	v0 =	vperm.xlane v0, v1  }
0x8b: {  	[tilespmem:s13], [sflag:$0x1] =	stream.indirect_vreg.gather [hbm4b:s29+s7], $0x80, v3, vm1, $0xb8;
	[tilespmem:$0x9A00] =	vst v63  }
0x8c: {  	s14 =	simm.s32 $0x4000;
	s30 =	sadd.s32 $0x600, s6;
	v0 =	vadd.s32 v4, v0  }
0x8d: {  	[tilespmem:s14], [sflag:$0x1] =	stream.indirect_vreg.gather [hbm4b:s30+s7], $0x80, v3, vm1, $0xb8;
	[tilespmem:$0x9A00] =	vst v63  }
0x8e: {  	s15 =	simm.s32 $0x4800;
	s31 =	sadd.s32 $0x700, s6;
	v1, _, _ =	vpop (xrf2)  }
0x8f: {  	(v2sf) =	vpush v1, $0xF;
	[tilespmem:s15], [sflag:$0x1] =	stream.indirect_vreg.gather [hbm4b:s31+s7], $0x80, v3, vm1, $0xb8;
	[tilespmem:$0x9A00] =	vst v63  }
0x90: {  	s16 =	simm.s32 $0x5000  }
0x91: {  	[tilespmem:s16], [sflag:$0x1] =	stream.indirect_vreg.gather [hbm4b:s6+s7], $0x80, v0, vm1, $0xb8;
	[tilespmem:$0x9A00] =	vst v63  }
0x92: {  	s17 =	simm.s32 $0x5800  }
0x93: {  	[tilespmem:s17], [sflag:$0x1] =	stream.indirect_vreg.gather [hbm4b:s22+s7], $0x80, v0, vm1, $0xb8;
	[tilespmem:$0x9A00] =	vst v63  }
0x94: {  	s18 =	simm.s32 $0x6000  }
0x95: {  	[tilespmem:s18], [sflag:$0x1] =	stream.indirect_vreg.gather [hbm4b:s24+s7], $0x80, v0, vm1, $0xb8;
	[tilespmem:$0x9A00] =	vst v63  }
0x96: {  	s19 =	simm.s32 $0x6800  }
0x97: {  	[tilespmem:s19], [sflag:$0x1] =	stream.indirect_vreg.gather [hbm4b:s26+s7], $0x80, v0, vm1, $0xb8;
	[tilespmem:$0x9A00] =	vst v63  }
0x98: {  	s20 =	simm.s32 $0x7000  }
0x99: {  	[tilespmem:s20], [sflag:$0x1] =	stream.indirect_vreg.gather [hbm4b:s28+s7], $0x80, v0, vm1, $0xb8;
	[tilespmem:$0x9A00] =	vst v63  }
0x9a: {  	s21 =	simm.s32 $0x7800  }
0x9b: {  	[tilespmem:s21], [sflag:$0x1] =	stream.indirect_vreg.gather [hbm4b:s29+s7], $0x80, v0, vm1, $0xb8;
	[tilespmem:$0x9A00] =	vst v63  }
0x9c: {  	s22 =	simm.s32 $0x8000  }
0x9d: {  	[tilespmem:s22], [sflag:$0x1] =	stream.indirect_vreg.gather [hbm4b:s30+s7], $0x80, v0, vm1, $0xb8;
	[tilespmem:$0x9A00] =	vst v63  }
0x9e: {  	s23 =	simm.s32 $0x8800;
	s25 =	simm.s32 $0x1;
	s24 =	spop (v2sf)  }
0x9f: {  	[tilespmem:s23], [sflag:$0x1] =	stream.indirect_vreg.gather [hbm4b:s31+s7], $0x80, v0, vm1, $0xb8;
	[tilespmem:$0x9A00] =	vst v63  }
0xa0: {  	_ =	swait.ge [sflag:s25], $0x8000  }
0xa1: {  	s26 =	sand.u32 $0x60, s7;
	s7 =	sand.u32 $0x3C00, s7;
	[sflag:s25] =	ssyncset.done $0x0  }
0xa2: {  	s7 =	sor.u32 s26, s7;
	[sflag:s25] =	ssyncadd.s32 $0xFFFF8000  }
0xa3: {  	v0 =	vld [tilespmem:s7+$0x1010]  }
0xa4: {  	v1 =	vld [tilespmem:s7+$0x1090]  }
0xa5: {  	v2 =	vld [tilespmem:s7+$0x1000]  }
0xa6: {  	s28 =	simm.s32 $0x20;
	s29 =	simm.s32 $0x100;
	v3 =	vld [tilespmem:s7+$0x1110]  }
0xa7: {  	s8 =	sand.u32 $0x60, s28;
	s9 =	sand.u32 $0x3C00, s29;
	v4 =	vld [tilespmem:s7+$0x1080]  }
0xa8: {  	s8 =	sor.u32 s8, s9;
	v5 =	vld [tilespmem:s7+$0x1100]  }
0xa9: {  	v6 =	vld [tilespmem:s8+$0x1010]  }
0xaa: {  	v0 =	vadd.f32 v1, v0;
	v1 =	vld [tilespmem:s8+$0x1090]  }
0xab: {  	v8 =	vld [tilespmem:s8+$0x1000]  }
0xac: {  	s30 =	simm.s32 $0x40;
	s31 =	simm.s32 $0x200;
	v7 =	vld [tilespmem:s8+$0x1110];
	v0 =	vadd.f32 v3, v0;
	v3 =	vadd.f32 v4, v2  }
0xad: {  	s9 =	sand.u32 $0x3C00, s31;
	s7 =	sand.u32 $0x60, s30;
	v9 =	vld [tilespmem:s8+$0x1080]  }
0xae: {  	s7 =	sor.u32 s7, s9;
	v2 =	vld [tilespmem:s8+$0x1100];
	v0 =	vmul.f32 $3.333333430e-01, v0;
	v5 =	vadd.f32 v5, v3  }
0xaf: {  	v4 =	vld [tilespmem:s7+$0x1090];
	v1 =	vadd.f32 v1, v6  }
0xb0: {  	v3 =	vld [tilespmem:s7+$0x1010];
	v6 =	vmul.f32 v0, v0;
	v10 =	vmul.f32 $3.333333430e-01, v5  }
0xb1: {  	v0 =	vimm.f32 $0.0e+00;
	v5 =	vld [tilespmem:s7+$0x1000];
	v7 =	vadd.f32 v7, v1  }
0xb2: {  	s6 =	smul.f32 $3.333333430e-01, s24;
	s9 =	simm.s32 $0x300;
	v9 =	vadd.f32 v9, v8;
	s8 =	simm.s32 $0x60;
	v1 =	vadd.f32 v6, v0;
	v6 =	vld [tilespmem:s7+$0x1110];
	v8 =	vmul.f32 v10, v10  }
.LBB2_4:
0xb3: {  	s10 =	sand.u32 $0x60, s8;
	s11 =	sand.u32 $0x3C00, s9;
	v10 =	vld [tilespmem:s7+$0x1080];
	v7 =	vmul.f32 $3.333333430e-01, v7;
	p0 =	sne.s32 s8, $0x7E0  }
.Ltmp2:
0xb4: {  	s8 =	sadd.s32 $0x20, s8;
	v13 =	vadd.f32 v2, v9;
	v2 =	vld [tilespmem:s7+$0x1100];
	s7 =	sor.u32 s10, s11;
	v0 =	vadd.f32 v8, v0;
	(pc) =	sbr.rel @p0 .LBB2_4-.Ltmp2, $4  }
0xb5: {  	v8 =	vadd.f32 v4, v3;
	v3 =	vld [tilespmem:s7+$0x1010];
	v11 =	vmul.f32 v7, v7  }
0xb6: {  	v4 =	vld [tilespmem:s7+$0x1090];
	v12 =	vmul.f32 $3.333333430e-01, v13;
	v9 =	vmov v5  }
0xb7: {  	v5 =	vld [tilespmem:s7+$0x1000];
	v7 =	vadd.f32 v6, v8;
	v1 =	vadd.f32 v11, v1  }
0xb8: {  	s9 =	sadd.s32 $0x100, s9;
	v6 =	vld [tilespmem:s7+$0x1110];
	v9 =	vadd.f32 v10, v9;
	v8 =	vmul.f32 v12, v12  }
0xb9: {  	v10 =	vld [tilespmem:s7+$0x1080];
	_ =	sdelay $0x1  }
0xba: {  	v11 =	vld [tilespmem:s7+$0x1100];
	_ =	sdelay $0x1  }
0xbb: {  	v2 =	vadd.f32 v2, v9  }
0xbc: {  	v3 =	vadd.f32 v4, v3;
	v59 =	vadd.f32 v10, v5  }
0xbd: {  	v60 =	vmul.f32 $3.333333430e-01, v7;
	v2 =	vmul.f32 $3.333333430e-01, v2  }
0xbe: {  	v3 =	vadd.f32 v6, v3;
	v4 =	vadd.f32 v11, v59  }
0xbf: {  	v5 =	vmul.f32 v60, v60;
	v2 =	vmul.f32 v2, v2  }
0xc0: {  	v0 =	vadd.f32 v8, v0;
	v3 =	vmul.f32 $3.333333430e-01, v3;
	v4 =	vmul.f32 $3.333333430e-01, v4  }
0xc1: {  	v1 =	vadd.f32 v5, v1  }
0xc2: {  	v0 =	vadd.f32 v2, v0;
	v61 =	vmul.f32 v3, v3;
	v62 =	vmul.f32 v4, v4;
	_ =	sdelay $0x1  }
0xc3: {  	v1 =	vadd.f32 v61, v1;
	v0 =	vadd.f32 v62, v0;
	_ =	sdelay $0x1  }
0xc4: {  	v0 =	vadd.f32 v1, v0;
	_ =	sdelay $0x1  }
0xc5: {  	(xrf2) =	vadd.scan.msk.f32 $0xffff, v0;
	_ =	sdelay $0x9  }
0xc6: {  	v0, _, _ =	vpop (xrf2)  }
0xc7: {  	v63 =	vmov s6;
	v0 =	vbroadcast v0, $0xF  }
0xc8: {  	vm1 =	vmmov $0x1;
	v1 =	vnsel vm0, $0x0, v63  }
0xc9: {  	v0 =	vsel vm1, v0, v1  }
0xca: {  	s6 =	simm.s32 $0x0;
	s7 =	simm.s32 $0x9000;
	[tilespmem:$0x9000] =	vst v0  }
0xcb: {  	[hbm4b:s5+s6] =	stream.linear.scatter [tilespmem:s7], [sflag:$0x3], $0x80, $0x38;
	[tilespmem:$0x9A00] =	vst v63  }
0xcc: {  	p0 =	sne.s32 s1, $0x0;
	s5 =	simm.s32 $0x3  }
.Ltmp3:
0xcd: {  	_ =	swait.ge [sflag:s5], $0x80;
	(pc) =	sbr.rel @p0 .LBB2_7-.Ltmp3, $3  }
0xce: {  	[sflag:s5] =	ssyncset.done $0x0  }
0xcf: {  	[sflag:s5] =	ssyncadd.s32 $0xFFFFFF80  }
0xd0: {  	[bflag:$0x0] =	sbarrier.arrive $0xFFFF;
	_ =	sdelay $0x1  }
0xd1: {  	s8 =	simm.s32 $0x9200  }
0xd2: {  	[tilespmem:s8], [sflag:$0x3] =	stream.linear.gather [hbm4b:s4+s6], $0x800, $0x38;
	[tilespmem:$0x9A00] =	vst v63  }
0xd3: {  	v0 =	vlaneseq.u32;
	_ =	swait.ge [sflag:s5], $0x800  }
0xd4: {  	v0 =	vmul.u32 $0x80, v0;
	[sflag:s5] =	ssyncset.done $0x0  }
0xd5: {  	s26 =	simm.s32 $0x9180;
	[sflag:s5] =	ssyncadd.s32 $0xFFFFF800  }
0xd6: {  	[tilespmem:s26], [sflag:$0x3] =	stream.linear.gather [hbm4b:s3+s6], $0x80, $0x38;
	[tilespmem:$0x9A00] =	vst v63  }
0xd7: {  	_ =	swait.ge [sflag:s5], $0x80  }
0xd8: {  	[sflag:s5] =	ssyncset.done $0x0  }
0xd9: {  	[sflag:s5] =	ssyncadd.s32 $0xFFFFFF80  }
0xda: {  	v1 =	vld.idx.msk [tilespmem:v0+s8+$0x0], $0xffff;
	_ =	sdelay $0x4  }
0xdb: {  	v2 =	vshra.s32 v1, $0x1;
	v3 =	vmul.f32 $5.000000000e-01, v1  }
0xdc: {  	v2 =	vsub.s32 $0x5F3759DF, v2  }
0xdd: {  	v4 =	vmul.f32 v2, v3;
	_ =	sdelay $0x1  }
0xde: {  	v4 =	vmul.f32 v2, v4;
	_ =	sdelay $0x1  }
0xdf: {  	v4 =	vsub.f32 $1.500000000e+00, v4;
	_ =	sdelay $0x1  }
0xe0: {  	v2 =	vmul.f32 v2, v4;
	_ =	sdelay $0x1  }
0xe1: {  	v4 =	vmul.f32 v2, v3;
	_ =	sdelay $0x1  }
0xe2: {  	v4 =	vmul.f32 v4, v2;
	_ =	sdelay $0x1  }
0xe3: {  	v4 =	vsub.f32 $1.500000000e+00, v4;
	_ =	sdelay $0x1  }
0xe4: {  	v2 =	vmul.f32 v4, v2  }
0xe5: {  	v46 =	vimm.s32 $0xFEDCBA98;
	v0 =	vor.u32 $0x1, v0  }
0xe6: {  	v5 =	vimm.s32 $0x76543210;
	v4 =	vunpack.c.l.s4.s8 v46;
	v3 =	vmul.f32 v2, v3  }
0xe7: {  	v5 =	vunpack.c.l.s4.s8 v5  }
0xe8: {  	v4 =	vunpack.c.0.s8.s32 v4;
	v3 =	vmul.f32 v3, v2  }
0xe9: {  	v5 =	vunpack.c.0.s8.s32 v5  }
0xea: {  	v0 =	vld.idx.msk [tilespmem:v0+s8+$0x0], $0xffff;
	v4 =	vand.u32 $0xF, v4;
	v3 =	vsub.f32 $1.500000000e+00, v3  }
0xeb: {  	v47 =	vcombine.low v4, v5  }
0xec: {  	v2 =	vmul.f32 v3, v2;
	_ =	sdelay $0x1  }
0xed: {  	v1 =	vmul.f32 v2, v1  }
0xee: {  	[tilespmem:$0x9100] =	vst v0  }
0xef: {  	s28 =	simm.s32 $0x9100;
	[tilespmem:$0x9080] =	vst v1  }
0xf0: {  	v0 =	vld.idx.msk [tilespmem:v47+s28+$0x0], $0xffff;
	_ =	sdelay $0x4  }
0xf1: {  	v48 =	vsub.f32 $1.000000000e+00, v0  }
0xf2: {  	v49 =	vand.u32 $0x7FFFFF, v0  }
0xf3: {  	v4 =	vor.u32 $0x3F800000, v49;
	v50 =	vand.u32 $0x7FFFFF, v48  }
0xf4: {  	v6 =	vadd.f32 $1.000000000e+00, v4;
	v5 =	vor.u32 $0x3F800000, v50  }
0xf5: {  	v7 =	vadd.f32 $1.000000000e+00, v5  }
0xf6: {  	(erf) = vrcp.f32 v6  }
0xf7: {  	(erf) = vrcp.f32 v7;
	_ =	sdelay $0x6  }
0xf8: {  	v4 =	vadd.f32 $-1.000000000e+00, v4  }
0xf9: {  	v5 =	vadd.f32 $-1.000000000e+00, v5;
	v6 =	vpop (erf)  }
0xfa: {  	v4 =	vmul.f32 v6, v4;
	v51 =	vpop (erf)  }
0xfb: {  	v5 =	vmul.f32 v51, v5  }
0xfc: {  	v52 =	vmul.f32 v4, v4  }
0xfd: {  	v53 =	vmul.f32 v5, v5  }
0xfe: {  	v8 =	vmul.f32 $2.222222240e-01, v52  }
0xff: {  	v9 =	vmul.f32 $2.222222240e-01, v53  }
0x100: {  	v8 =	vadd.f32 $2.857142980e-01, v8  }
0x101: {  	v9 =	vadd.f32 $2.857142980e-01, v9  }
0x102: {  	v8 =	vmul.f32 v8, v52  }
0x103: {  	v9 =	vmul.f32 v9, v53  }
0x104: {  	v8 =	vadd.f32 $4.000000060e-01, v8  }
0x105: {  	v9 =	vadd.f32 $4.000000060e-01, v9  }
0x106: {  	v8 =	vmul.f32 v8, v52  }
0x107: {  	v9 =	vmul.f32 v9, v53  }
0x108: {  	v8 =	vadd.f32 $6.666666270e-01, v8  }
0x109: {  	v9 =	vadd.f32 $6.666666270e-01, v9  }
0x10a: {  	v54 =	vshra.s32 v0, $0x17;
	v6 =	vmul.f32 v8, v52  }
0x10b: {  	v55 =	vshra.s32 v48, $0x17;
	v8 =	vadd.s32 $0xFFFFFF81, v54;
	v7 =	vmul.f32 v9, v53  }
0x10c: {  	s29 =	simm.s32 $0x9080;
	v56 =	vld [tilespmem:$0x9180];
	v8 =	vcvt.s32.f32 v8;
	v6 =	vadd.f32 $2.000000000e+00, v6;
	v9 =	vadd.s32 $0xFFFFFF81, v55  }
0x10d: {  	v3 =	vld.idx.msk [tilespmem:v47+s29+$0x0], $0xffff;
	v9 =	vcvt.s32.f32 v9;
	v7 =	vadd.f32 $2.000000000e+00, v7  }
0x10e: {  	v8 =	vmul.f32 $6.931471820e-01, v8;
	v4 =	vmul.f32 v6, v4  }
0x10f: {  	v1 =	vsub.f32 $1.000000000e+02, v1;
	v57 =	vmul.f32 $6.931471820e-01, v9;
	v5 =	vmul.f32 v7, v5;
	_ =	sdelay $0x1  }
0x110: {  	v1 =	vand.u32 $0x7FFFFFFF, v1;
	v4 =	vadd.f32 v4, v8;
	v5 =	vadd.f32 v5, v57  }
0x111: {  	v60 =	vsub.f32 $1.000000000e+00, v56;
	v1 =	vadd.f32 v1, v3;
	vm1 =	vlt.f32 v0, $9.999999910e-38  }
0x112: {  	vm2 =	vlt.f32 v48, $9.999999910e-38;
	v58 =	vmax.f32 v4, $-1.000000000e+02;
	v59 =	vmax.f32 v5, $-1.000000000e+02  }
0x113: {  	v1 =	vmul.f32 v1, v1;
	v0 =	vsel vm1, $0xC2C80000, v58;
	v2 =	vsel vm2, $0xC2C80000, v59  }
0x114: {  	vm14 =	vmmov $0xff;
	v0 =	vmul.f32 v0, v56;
	v2 =	vmul.f32 v2, v60  }
0x115: {  	v1 =	vnsel vm14, $0x0, v1  }
0x116: {  	(xrf2) =	vadd.scan.msk.f32 $0xffff, v1;
	v0 =	vadd.f32 v2, v0;
	_ =	sdelay $0x1  }
0x117: {  	v0 =	vsub.f32 $0.0e+00, v0;
	_ =	sdelay $0x1  }
0x118: {  	(xrf2) =	vadd.scan.msk.f32 $0xffff, v0;
	_ =	sdelay $0x5  }
0x119: {  	v61, _, _ =	vpop (xrf2)  }
0x11a: {  	(v2sf) =	vpush v61, $0xF;
	_ =	sdelay $0x2  }
0x11b: {  	v62, _, _ =	vpop (xrf2)  }
0x11c: {  	(v2sf) =	vpush v62, $0xF;
	_ =	sdelay $0xa  }
0x11d: {  	s30 =	spop (v2sf)  }
0x11e: {  	s3 =	smul.f32 $1.250000000e-01, s30;
	_ =	sdelay $0x1  }
0x11f: {  	s3 =	smul.f32 $9.999999740e-05, s3  }
0x120: {  	s31 =	spop (v2sf)  }
0x121: {  	vm15 =	vcmask $0x300;
	v63 =	vmov s3;
	s4 =	smul.f32 $6.250000000e-02, s31  }
0x122: {  	v0 =	vnsel vm15, $0x0, v63  }
0x123: {  	v0 =	vsel vm0, s4, v0  }
0x124: {  	[tilespmem:$0x9000] =	vst v0  }
0x125: {  	[hbm4b:s2+s6] =	stream.linear.scatter [tilespmem:s7], [sflag:$0x3], $0x80, $0x38;
	[tilespmem:$0x9A00] =	vst v63  }
0x126: {  	_ =	swait.ge [sflag:s5], $0x80  }
0x127: {  	[sflag:s5] =	ssyncset.done $0x0  }
0x128: {  	[sflag:s5] =	ssyncadd.s32 $0xFFFFFF80  }
.LBB2_7:
0x129: {  	_ =	sfence.sel $0x180000  }
0x12a: {  	[bflag:$0x0] =	sbarrier.arrive $0xFFFF  }
0x12b: {  	p0 =	sne.s32 s1, $0x0;
	_ =	strace $0x90000047  }
0x12c: {  	s0 =	sadd.s32 @!p0 $0x100000, s0;
	[bflag:$0x2] =	sbarrier.arrive $0xFFFF  }
0x12d: {  	[sflag:s0] =	ssyncadd.tile.s32 @!p0 $0x1;
	_ =	shalt  }
.Lfunc_end2:
_tile_overlayer_lowered:
.L_overlay_start_2:
0x12e: {  	(tag) =	ssettag $0x2  }
0x12f: {  	s0 =	rddreg [dreg:$0x0];
	s2 =	stileid.u32  }
0x130: {  	s1 =	rddreg [dreg:$0x1];
	p0 =	sne.s32 s2, $0x0  }
0x131: {  	s3 =	rddreg [dreg:$0x2];
	[bflag:$0x3] =	sbarrier.arrive $0xFFFF;
	s2 =	simm.s32 @!p0 $0x1C03  }
0x132: {  	[timem:s3], [sflag:s2] =	dma.local @!p0 [hbm:s0], s1  }
0x133: {  	s0 =	simm.s32 @!p0 $0x3  }
0x134: {  	_ =	swait.ge @!p0 [sflag:s0], s1  }
0x135: {  	s1 =	ssub.s32 @!p0 $0x0, s1;
	[sflag:s0] =	ssyncset.done @!p0 $0x0  }
0x136: {  	[sflag:s0] =	ssyncadd.s32 @!p0 s1  }
0x137: {  	[bflag:$0x3] =	sbarrier.arrive $0xFFFF  }
0x138: {  	_ =	shalt  }

</sc_bundles>
